<compile_context>
chip_gen: v7x
topology: tpu7x:2x2x1
jax: 0.10.2.dev20260603
libtpu: 0.0.44.dev20260713+nightly
codegen_flags: <defaults>
</compile_context>

<pallas_src>
import functools

import jax
import jax.numpy as jnp
from jax import lax
from jax.experimental import pallas as pl
from jax.experimental.pallas import tpu as pltpu
from jax.experimental.pallas import tpu_sc as plsc

E_ = 8
H_ = 1024
B_ = 2048
M_ = 128
NT_ = 24
BP_ = NT_ * M_
NW_ = 32
TPW_ = B_ // NW_



def _router_body(pooled_ref, gate_ref, dest_ref, te_ref, w_ref, aux_ref):
    x = pooled_ref[...]
    gw = gate_ref[...]
    logits = lax.dot_general(gw, x, (((1,), (1,)), ((), ())),
                             preferred_element_type=jnp.float32)
    m = jnp.max(logits, axis=0, keepdims=True)
    ex = jnp.exp(logits - m)
    s = jnp.sum(ex, axis=0, keepdims=True)
    prob = ex / s
    iota_e = lax.broadcasted_iota(jnp.int32, (E_, B_), 0)
    is_max = logits == m
    idxv = jnp.min(jnp.where(is_max, iota_e, E_), axis=0, keepdims=True)
    oh = (iota_e == idxv).astype(jnp.float32)

    pmax = 1.0 / s
    w_ref[...] = pmax + (1.0 - pmax)

    lse = m + jnp.log(s)
    z_sum = jnp.sum(lse * lse, axis=1, keepdims=True)
    prob_sum = jnp.sum(prob, axis=1, keepdims=True)
    counts = jnp.sum(oh, axis=1, keepdims=True)
    bal = jnp.sum(prob_sum * counts, axis=0, keepdims=True)
    aux_ref[...] = jnp.concatenate(
        [bal * (E_ / (B_ * float(B_))), z_sum / B_, jnp.zeros((1, 6), jnp.float32)],
        axis=1)

    bw = 256
    r_i = lax.broadcasted_iota(jnp.int32, (bw, bw), 0)
    c_i = lax.broadcasted_iota(jnp.int32, (bw, bw), 1)
    tri = (r_i <= c_i).astype(jnp.float32)
    carry = jnp.zeros((E_, 1), jnp.float32)
    blocks = []
    for b in range(B_ // bw):
        ohb = oh[:, b * bw:(b + 1) * bw]
        posb = lax.dot_general(ohb, tri, (((1,), (0,)), ((), ())),
                               preferred_element_type=jnp.float32) + carry
        blocks.append(posb)
        carry = carry + jnp.sum(ohb, axis=1, keepdims=True)
    posincl = jnp.concatenate(blocks, axis=1)

    counts_i = carry.astype(jnp.int32)
    rc = ((counts_i + (M_ - 1)) // M_) * M_
    lo_i = lax.broadcasted_iota(jnp.int32, (E_, E_), 0)
    lo_j = lax.broadcasted_iota(jnp.int32, (E_, E_), 1)
    ltri = (lo_j < lo_i).astype(jnp.float32)
    off = lax.dot_general(ltri, rc.astype(jnp.float32), (((1,), (0,)), ((), ())),
                          preferred_element_type=jnp.float32)

    dest = jnp.sum(oh * (off + posincl - 1.0), axis=0, keepdims=True)
    dest_ref[...] = dest.astype(jnp.int32)

    off_next = (off + rc.astype(jnp.float32)).astype(jnp.int32)
    ti = lax.broadcasted_iota(jnp.int32, (E_, NT_), 1) * M_
    te = jnp.minimum(jnp.sum((off_next <= ti).astype(jnp.int32), axis=0,
                             keepdims=True), E_ - 1)
    tu = jnp.sum(rc, axis=0, keepdims=True)
    te_ref[...] = jnp.where(ti[0:1, :] < tu, te, E_)


def _router_call(pooled, gate_w):
    return pl.pallas_call(
        _router_body,
        out_shape=[
            jax.ShapeDtypeStruct((1, B_), jnp.int32),
            jax.ShapeDtypeStruct((1, NT_), jnp.int32),
            jax.ShapeDtypeStruct((1, B_), jnp.float32),
            jax.ShapeDtypeStruct((1, 8), jnp.float32),
        ],
    )(pooled, gate_w)



@functools.cache
def _sc_mesh():
    return plsc.VectorSubcoreMesh(core_axis_name="c", subcore_axis_name="s",
                                  num_cores=2)


@functools.cache
def _scatter_rows_kernel():
    @functools.partial(
        pl.kernel,
        out_type=jax.ShapeDtypeStruct((BP_, H_), jnp.float32),
        mesh=_sc_mesh(),
        scratch_types=[
            pltpu.VMEM((TPW_,), jnp.int32),
            pltpu.VMEM((TPW_, H_), jnp.float32),
            pltpu.SemaphoreType.DMA,
        ],
    )
    def _scatter_rows(pooled_hbm, dest_hbm, xs_hbm, idx_v, rows_v, sem):
        wid = lax.axis_index("s") * 2 + lax.axis_index("c")
        base = wid * TPW_
        pltpu.sync_copy(dest_hbm.at[pl.ds(base, TPW_)], idx_v)
        pltpu.sync_copy(pooled_hbm.at[pl.ds(base, TPW_)], rows_v)
        pltpu.async_copy(rows_v, xs_hbm.at[idx_v], sem).wait()

    return _scatter_rows



def _gelu_exact(x):
    f32 = jnp.float32
    z = (-x) * f32(0.707106769)
    half = x * f32(0.5)
    ax = jnp.abs(z)
    x2 = z * z
    p = f32(7.85386146e-05)
    for c in (-0.000801019371, 0.00518832775, -0.0268538129, 0.112835854,
              -0.37612626, 1.12837911):
        p = p * x2 + f32(c)
    res_small = f32(1.0) - z * p
    nx2 = -x2
    ex = jnp.exp(nx2)
    q = ex * (f32(1.0) / ax)
    w = f32(1.0) / x2
    pa = f32(0.0232682)
    for c in (-0.138703942, 0.368742466, -0.582473278, 0.621000469,
              -0.494451523, 0.340488, -0.274112701, 0.563825965):
        pa = pa * w + f32(c)
    pb = f32(-10.477664)
    for c in (12.9772, -7.49551868, 2.92101908, -1.01526523, 0.42184633,
              -0.282076746, 0.564189494):
        pb = pb * w + f32(c)
    poly = jnp.where(ax < f32(2.0), pa, pb)
    val = q * poly
    val = jnp.where(nx2 < f32(-88.7228394), f32(0.0), val)
    res_large = jnp.where(z < f32(0.0), f32(2.0) - val, val)
    erfc_z = jnp.where(ax < f32(1.0), res_small, res_large)
    return half * erfc_z


def _ffn_body(te_ref, xs_ref, w1_ref, b1t_ref, w2_ref, b2t_ref, ys_ref):
    i = pl.program_id(0)

    @pl.when(te_ref[i] < E_)
    def _():
        e = jnp.minimum(te_ref[i], E_ - 1)
        x = xs_ref[...]
        w1 = w1_ref[0]
        lane1 = lax.broadcasted_iota(jnp.int32, (H_, E_), 1)
        b1c = jnp.sum(jnp.where(lane1 == e, b1t_ref[...], 0.0),
                      axis=1, keepdims=True)
        lane2 = lax.broadcasted_iota(jnp.int32, (2, E_), 1)
        b2c = jnp.sum(jnp.where(lane2 == e, b2t_ref[...], 0.0),
                      axis=1, keepdims=True)
        ht = lax.dot_general(w1, x, (((1,), (1,)), ((), ())),
                             preferred_element_type=jnp.float32) + b1c
        a_bf = _gelu_exact(ht).astype(jnp.bfloat16)
        w2 = w2_ref[0]
        ot = lax.dot_general(w2, a_bf.astype(jnp.float32),
                             (((1,), (0,)), ((), ())),
                             preferred_element_type=jnp.float32) + b2c
        mx = jnp.max(ot, axis=0, keepdims=True)
        eo = jnp.exp(ot - mx)
        ys_ref[...] = eo / jnp.sum(eo, axis=0, keepdims=True)


def _ffn_call(te, xs, W1, b1, W2, b2):
    grid_spec = pltpu.PrefetchScalarGridSpec(
        num_scalar_prefetch=1,
        grid=(NT_,),
        in_specs=[
            pl.BlockSpec((M_, H_), lambda i, te: (i, 0)),
            pl.BlockSpec((1, H_, H_), lambda i, te: (jnp.minimum(te[i], E_ - 1), 0, 0)),
            pl.BlockSpec((H_, E_), lambda i, te: (0, 0)),
            pl.BlockSpec((1, 2, H_), lambda i, te: (jnp.minimum(te[i], E_ - 1), 0, 0)),
            pl.BlockSpec((2, E_), lambda i, te: (0, 0)),
        ],
        out_specs=pl.BlockSpec((2, M_), lambda i, te: (0, i)),
    )
    return pl.pallas_call(
        _ffn_body,
        grid_spec=grid_spec,
        out_shape=jax.ShapeDtypeStruct((2, BP_), jnp.float32),
    )(te, xs, W1, b1.T, W2, b2.T)



@functools.cache
def _gather_out_kernel():
    @functools.partial(
        pl.kernel,
        out_type=jax.ShapeDtypeStruct((2 * B_,), jnp.float32),
        mesh=_sc_mesh(),
        scratch_types=[
            pltpu.VMEM((TPW_,), jnp.int32),
            pltpu.VMEM((BP_ * 2,), jnp.float32),
            pltpu.VMEM((TPW_,), jnp.float32),
            pltpu.VMEM((TPW_,), jnp.float32),
        ],
        compiler_params=pltpu.CompilerParams(needs_layout_passes=False),
    )
    def _gather_out(ys_hbm, dest_hbm, out_hbm, idx_v, ys_v, o0_v, o1_v):
        wid = lax.axis_index("s") * 2 + lax.axis_index("c")
        base = wid * TPW_
        pltpu.sync_copy(dest_hbm.at[pl.ds(base, TPW_)], idx_v)
        pltpu.sync_copy(ys_hbm, ys_v)
        for j in range(TPW_ // 16):
            ii = idx_v[pl.ds(j * 16, 16)]
            o0_v[pl.ds(j * 16, 16)] = plsc.load_gather(ys_v, [ii])
            o1_v[pl.ds(j * 16, 16)] = plsc.load_gather(ys_v, [ii + BP_])
        pltpu.sync_copy(o0_v, out_hbm.at[pl.ds(base, TPW_)])
        pltpu.sync_copy(o1_v, out_hbm.at[pl.ds(B_ + base, TPW_)])

    return _gather_out



def _final_body(eo_ref, w_ref, lab_ref, ce_ref, pred_ref):
    eo = eo_ref[...]
    w = w_ref[...]
    wl = eo * w
    mx = jnp.max(wl, axis=0, keepdims=True)
    lse = mx + jnp.log(jnp.sum(jnp.exp(wl - mx), axis=0, keepdims=True))
    logp = wl - lse
    lab = lab_ref[...]
    sel = jnp.where(lab == 1, logp[1:2, :], logp[0:1, :])
    ce_ref[...] = -jnp.sum(sel, axis=1, keepdims=True) / B_
    pred_ref[...] = (wl[1:2, :] > wl[0:1, :]).astype(jnp.int32)


def _final_call(eo, w, lab):
    return pl.pallas_call(
        _final_body,
        out_shape=[
            jax.ShapeDtypeStruct((1, 1), jnp.float32),
            jax.ShapeDtypeStruct((1, B_), jnp.int32),
        ],
    )(eo, w, lab)


def kernel(pooled, gate_w, W1, b1, W2, b2, class_label):
    dest2, te2, w2d, aux = _router_call(pooled, gate_w)
    dest = dest2.reshape(B_)
    xs = _scatter_rows_kernel()(pooled, dest)
    ys = _ffn_call(te2.reshape(NT_), xs, W1, b1, W2, b2)
    eo = _gather_out_kernel()(ys.reshape(BP_ * 2), dest).reshape(2, B_)
    ce2, pred2 = _final_call(eo, w2d, class_label.reshape(1, B_).astype(jnp.int32))
    ce_loss = ce2.reshape(())
    balancing_loss = aux[0, 0]
    router_z_loss = aux[0, 1]
    loss = ce_loss + 0.01 * balancing_loss + 0.001 * router_z_loss
    pred = pred2.reshape(B_)
    return (loss, ce_loss, balancing_loss, router_z_loss, pred)

# --- scband reference (transcript-rebuilt; emitter-appended) ---
"""Pipeline reference for scband-mo-e-56822417326284 (READ-ONLY COPY).

The authoritative reference and input builder live on the scoring server;
editing this copy changes nothing except your own understanding.
"""

import jax, jax.numpy as jnp
import numpy as np

E = 8
H = 1024
B = 2048

def setup_inputs(seed: int = 0) -> dict:
    key = jax.random.key(seed)
    ks = jax.random.split(key, 7)
    pooled = jax.random.normal(ks[0], (B, H), dtype=jnp.float32)
    class_label = jax.random.randint(ks[1], (B,), 0, 2)
    s = 1.0 / np.sqrt(H)
    gate_w = jax.random.uniform(ks[2], (E, H), jnp.float32, -s, s)
    W1 = jax.random.uniform(ks[3], (E, H, H), jnp.float32, -s, s)
    b1 = jax.random.uniform(ks[4], (E, H), jnp.float32, -s, s)
    W2 = jax.random.uniform(ks[5], (E, 2, H), jnp.float32, -s, s)
    b2 = jax.random.uniform(ks[6], (E, 2), jnp.float32, -s, s)
    return {"pooled": pooled, "gate_w": gate_w, "W1": W1, "b1": b1, "W2": W2, "b2": b2, "class_label": class_label}

def reference(pooled, gate_w, W1, b1, W2, b2, class_label):
    # router (feature_extractor pooler_output is the `pooled` input; backbone is frozen in the original)
    gate_logits = pooled @ gate_w.T                                   # [B, E]
    routing_prob = jax.nn.softmax(gate_logits, axis=-1)
    idx = jnp.argmax(routing_prob, axis=-1)                           # [B]
    dispatch_onehot = jax.nn.one_hot(idx, E, dtype=jnp.float32)       # [B, E]
    routing_prob_mean = routing_prob.mean(axis=0)
    dispatch_fraction = dispatch_onehot.mean(axis=0)
    balancing_loss = (routing_prob_mean * dispatch_fraction).sum() * E
    router_z_loss = jnp.mean(jax.scipy.special.logsumexp(gate_logits, axis=-1) ** 2)
    # experts: Linear(H,H) -> GELU(exact) -> Linear(H,2) -> Softmax; dense compute then per-token select
    h1 = jnp.einsum('bh,eoh->ebo', pooled, W1) + b1[:, None, :]       # [E, B, H]
    a = jax.nn.gelu(h1, approximate=False)
    o = jnp.einsum('ebh,eoh->ebo', a, W2) + b2[:, None, :]            # [E, B, 2]
    sm = jax.nn.softmax(o, axis=-1)
    expert_out = sm[idx, jnp.arange(pooled.shape[0]), :]              # [B, 2]
    pmax = routing_prob.max(axis=-1)
    weight = pmax + jax.lax.stop_gradient(1.0 - pmax)                 # straight-through weight
    weighted_logits = expert_out * weight[:, None]
    pred = jnp.argmax(weighted_logits, axis=-1)
    logp = jax.nn.log_softmax(weighted_logits, axis=-1)
    ce_loss = -jnp.take_along_axis(logp, class_label[:, None], axis=1).squeeze(-1).mean()
    loss = ce_loss + 0.01 * balancing_loss + 0.001 * router_z_loss
    return (loss, ce_loss, balancing_loss, router_z_loss, pred)

if __name__ == "__main__":
    import jax
    _d = setup_inputs()
    print(jax.jit(kernel)(*tuple(_d.values())))

</pallas_src>

<mosaic_0001>
#map = affine_map<(d0, d1) -> (0)>
module attributes {stable_mosaic.version = 14 : i64} {
  func.func @_gather_out(%arg0: i32, %arg1: i32, %arg2: memref<6144xf32, #tpu.memory_space<hbm>>, %arg3: memref<2048xi32, #tpu.memory_space<hbm>>, %arg4: memref<4096xf32, #tpu.memory_space<hbm>>, %arg5: memref<64xi32, #tpu.memory_space<vmem>>, %arg6: memref<6144xf32, #tpu.memory_space<vmem>>, %arg7: memref<64xf32, #tpu.memory_space<vmem>>, %arg8: memref<64xf32, #tpu.memory_space<vmem>>) attributes {dimension_semantics = [#tpu.dimension_semantics<core_parallel>, #tpu.dimension_semantics<subcore_parallel>], iteration_bounds = array<i64: 2, 16>, scalar_prefetch = 0 : i64, scratch_operands = 4 : i64, tpu.core_type = #tpu.core_type<sc_vector_subcore>, window_params = [{transform_indices = #map}, {transform_indices = #map}, {transform_indices = #map}]} {
    %mul3A = arith.constant 2 : i32
    %mul3A_0 = arith.muli %arg1, %mul3A : i32
    %add3A = arith.addi %mul3A_0, %arg0 : i32
    %mul3A_1 = arith.constant 64 : i32
    %mul3A_2 = arith.muli %add3A, %mul3A_1 : i32
    "tpu.region"() ({
      %run_scoped3A = tpu.sem_alloc : memref<!tpu.dma_semaphore, #tpu.memory_space<semaphore_mem>>
      %dma_start3A = tpu.memref_slice %arg3[%mul3A_2] : memref<2048xi32, #tpu.memory_space<hbm>> -> memref<64xi32, #tpu.memory_space<hbm>>
      %dma_start3A_46 = tpu.memref_slice %arg3[%mul3A_2] : memref<2048xi32, #tpu.memory_space<hbm>> -> memref<64xi32, #tpu.memory_space<hbm>>
      tpu.enqueue_dma source(%dma_start3A_46 : memref<64xi32, #tpu.memory_space<hbm>>) target(%arg5 : memref<64xi32, #tpu.memory_space<vmem>>) target_semaphore(%run_scoped3A : memref<!tpu.dma_semaphore, #tpu.memory_space<semaphore_mem>>)
      %dma_wait3A = tpu.memref_slice %arg3[%mul3A_2] : memref<2048xi32, #tpu.memory_space<hbm>> -> memref<64xi32, #tpu.memory_space<hbm>>
      %dma_wait3A_47 = tpu.memref_slice %arg3[%mul3A_2] : memref<2048xi32, #tpu.memory_space<hbm>> -> memref<64xi32, #tpu.memory_space<hbm>>
      tpu.wait_dma2 semaphore(%run_scoped3A : memref<!tpu.dma_semaphore, #tpu.memory_space<semaphore_mem>>) src(%dma_wait3A_47 : memref<64xi32, #tpu.memory_space<hbm>>) dst(%arg5 : memref<64xi32, #tpu.memory_space<vmem>>)
      tpu.yield
    }) : () -> ()
    "tpu.region"() ({
      %run_scoped3A = tpu.sem_alloc : memref<!tpu.dma_semaphore, #tpu.memory_space<semaphore_mem>>
      tpu.enqueue_dma source(%arg2 : memref<6144xf32, #tpu.memory_space<hbm>>) target(%arg6 : memref<6144xf32, #tpu.memory_space<vmem>>) target_semaphore(%run_scoped3A : memref<!tpu.dma_semaphore, #tpu.memory_space<semaphore_mem>>)
      tpu.wait_dma2 semaphore(%run_scoped3A : memref<!tpu.dma_semaphore, #tpu.memory_space<semaphore_mem>>) src(%arg2 : memref<6144xf32, #tpu.memory_space<hbm>>) dst(%arg6 : memref<6144xf32, #tpu.memory_space<vmem>>)
      tpu.yield
    }) : () -> ()
    %get3A = arith.constant 0 : index
    %get3A_3 = tpu.vector_load %arg5[%get3A] {strides = array<i32>} : memref<64xi32, #tpu.memory_space<vmem>>, vector<16xi32>,
    %gather3A = tpu.vector_load_idx %arg6[%get3A_3] : memref<6144xf32, #tpu.memory_space<vmem>>[vector<16xi32>], vector<16xf32>,
    %swap3A = arith.constant 0 : index
    %swap3A_4 = tpu.vector_load %arg7[%swap3A] {strides = array<i32>} : memref<64xf32, #tpu.memory_space<vmem>>, vector<16xf32>,
    tpu.vector_store %arg7[%swap3A], %gather3A {strides = array<i32>} : memref<64xf32, #tpu.memory_space<vmem>>, vector<16xf32>,
    %add3A_5 = arith.constant 3072 : i32
    %add3A_6 = vector.broadcast %add3A_5 : i32 to vector<16xi32>
    %add3A_7 = arith.addi %get3A_3, %add3A_6 : vector<16xi32>
    %gather3A_8 = tpu.vector_load_idx %arg6[%add3A_7] : memref<6144xf32, #tpu.memory_space<vmem>>[vector<16xi32>], vector<16xf32>,
    %swap3A_9 = arith.constant 0 : index
    %swap3A_10 = tpu.vector_load %arg8[%swap3A_9] {strides = array<i32>} : memref<64xf32, #tpu.memory_space<vmem>>, vector<16xf32>,
    tpu.vector_store %arg8[%swap3A_9], %gather3A_8 {strides = array<i32>} : memref<64xf32, #tpu.memory_space<vmem>>, vector<16xf32>,
    %get3A_11 = arith.constant 16 : index
    %get3A_12 = tpu.vector_load %arg5[%get3A_11] {strides = array<i32>} : memref<64xi32, #tpu.memory_space<vmem>>, vector<16xi32>,
    %gather3A_13 = tpu.vector_load_idx %arg6[%get3A_12] : memref<6144xf32, #tpu.memory_space<vmem>>[vector<16xi32>], vector<16xf32>,
    %swap3A_14 = arith.constant 16 : index
    %swap3A_15 = tpu.vector_load %arg7[%swap3A_14] {strides = array<i32>} : memref<64xf32, #tpu.memory_space<vmem>>, vector<16xf32>,
    tpu.vector_store %arg7[%swap3A_14], %gather3A_13 {strides = array<i32>} : memref<64xf32, #tpu.memory_space<vmem>>, vector<16xf32>,
    %add3A_16 = arith.constant 3072 : i32
    %add3A_17 = vector.broadcast %add3A_16 : i32 to vector<16xi32>
    %add3A_18 = arith.addi %get3A_12, %add3A_17 : vector<16xi32>
    %gather3A_19 = tpu.vector_load_idx %arg6[%add3A_18] : memref<6144xf32, #tpu.memory_space<vmem>>[vector<16xi32>], vector<16xf32>,
    %swap3A_20 = arith.constant 16 : index
    %swap3A_21 = tpu.vector_load %arg8[%swap3A_20] {strides = array<i32>} : memref<64xf32, #tpu.memory_space<vmem>>, vector<16xf32>,
    tpu.vector_store %arg8[%swap3A_20], %gather3A_19 {strides = array<i32>} : memref<64xf32, #tpu.memory_space<vmem>>, vector<16xf32>,
    %get3A_22 = arith.constant 32 : index
    %get3A_23 = tpu.vector_load %arg5[%get3A_22] {strides = array<i32>} : memref<64xi32, #tpu.memory_space<vmem>>, vector<16xi32>,
    %gather3A_24 = tpu.vector_load_idx %arg6[%get3A_23] : memref<6144xf32, #tpu.memory_space<vmem>>[vector<16xi32>], vector<16xf32>,
    %swap3A_25 = arith.constant 32 : index
    %swap3A_26 = tpu.vector_load %arg7[%swap3A_25] {strides = array<i32>} : memref<64xf32, #tpu.memory_space<vmem>>, vector<16xf32>,
    tpu.vector_store %arg7[%swap3A_25], %gather3A_24 {strides = array<i32>} : memref<64xf32, #tpu.memory_space<vmem>>, vector<16xf32>,
    %add3A_27 = arith.constant 3072 : i32
    %add3A_28 = vector.broadcast %add3A_27 : i32 to vector<16xi32>
    %add3A_29 = arith.addi %get3A_23, %add3A_28 : vector<16xi32>
    %gather3A_30 = tpu.vector_load_idx %arg6[%add3A_29] : memref<6144xf32, #tpu.memory_space<vmem>>[vector<16xi32>], vector<16xf32>,
    %swap3A_31 = arith.constant 32 : index
    %swap3A_32 = tpu.vector_load %arg8[%swap3A_31] {strides = array<i32>} : memref<64xf32, #tpu.memory_space<vmem>>, vector<16xf32>,
    tpu.vector_store %arg8[%swap3A_31], %gather3A_30 {strides = array<i32>} : memref<64xf32, #tpu.memory_space<vmem>>, vector<16xf32>,
    %get3A_33 = arith.constant 48 : index
    %get3A_34 = tpu.vector_load %arg5[%get3A_33] {strides = array<i32>} : memref<64xi32, #tpu.memory_space<vmem>>, vector<16xi32>,
    %gather3A_35 = tpu.vector_load_idx %arg6[%get3A_34] : memref<6144xf32, #tpu.memory_space<vmem>>[vector<16xi32>], vector<16xf32>,
    %swap3A_36 = arith.constant 48 : index
    %swap3A_37 = tpu.vector_load %arg7[%swap3A_36] {strides = array<i32>} : memref<64xf32, #tpu.memory_space<vmem>>, vector<16xf32>,
    tpu.vector_store %arg7[%swap3A_36], %gather3A_35 {strides = array<i32>} : memref<64xf32, #tpu.memory_space<vmem>>, vector<16xf32>,
    %add3A_38 = arith.constant 3072 : i32
    %add3A_39 = vector.broadcast %add3A_38 : i32 to vector<16xi32>
    %add3A_40 = arith.addi %get3A_34, %add3A_39 : vector<16xi32>
    %gather3A_41 = tpu.vector_load_idx %arg6[%add3A_40] : memref<6144xf32, #tpu.memory_space<vmem>>[vector<16xi32>], vector<16xf32>,
    %swap3A_42 = arith.constant 48 : index
    %swap3A_43 = tpu.vector_load %arg8[%swap3A_42] {strides = array<i32>} : memref<64xf32, #tpu.memory_space<vmem>>, vector<16xf32>,
    tpu.vector_store %arg8[%swap3A_42], %gather3A_41 {strides = array<i32>} : memref<64xf32, #tpu.memory_space<vmem>>, vector<16xf32>,
    "tpu.region"() ({
      %run_scoped3A = tpu.sem_alloc : memref<!tpu.dma_semaphore, #tpu.memory_space<semaphore_mem>>
      %dma_start3A = tpu.memref_slice %arg4[%mul3A_2] : memref<4096xf32, #tpu.memory_space<hbm>> -> memref<64xf32, #tpu.memory_space<hbm>>
      %dma_start3A_46 = tpu.memref_slice %arg4[%mul3A_2] : memref<4096xf32, #tpu.memory_space<hbm>> -> memref<64xf32, #tpu.memory_space<hbm>>
      tpu.enqueue_dma source(%arg7 : memref<64xf32, #tpu.memory_space<vmem>>) target(%dma_start3A_46 : memref<64xf32, #tpu.memory_space<hbm>>) target_semaphore(%run_scoped3A : memref<!tpu.dma_semaphore, #tpu.memory_space<semaphore_mem>>)
      %dma_wait3A = tpu.memref_slice %arg4[%mul3A_2] : memref<4096xf32, #tpu.memory_space<hbm>> -> memref<64xf32, #tpu.memory_space<hbm>>
      %dma_wait3A_47 = tpu.memref_slice %arg4[%mul3A_2] : memref<4096xf32, #tpu.memory_space<hbm>> -> memref<64xf32, #tpu.memory_space<hbm>>
      tpu.wait_dma2 semaphore(%run_scoped3A : memref<!tpu.dma_semaphore, #tpu.memory_space<semaphore_mem>>) src(%arg7 : memref<64xf32, #tpu.memory_space<vmem>>) dst(%dma_wait3A_47 : memref<64xf32, #tpu.memory_space<hbm>>)
      tpu.yield
    }) : () -> ()
    %add3A_44 = arith.constant 2048 : i32
    %add3A_45 = arith.addi %add3A_44, %mul3A_2 : i32
    "tpu.region"() ({
      %run_scoped3A = tpu.sem_alloc : memref<!tpu.dma_semaphore, #tpu.memory_space<semaphore_mem>>
      %dma_start3A = tpu.memref_slice %arg4[%add3A_45] : memref<4096xf32, #tpu.memory_space<hbm>> -> memref<64xf32, #tpu.memory_space<hbm>>
      %dma_start3A_46 = tpu.memref_slice %arg4[%add3A_45] : memref<4096xf32, #tpu.memory_space<hbm>> -> memref<64xf32, #tpu.memory_space<hbm>>
      tpu.enqueue_dma source(%arg8 : memref<64xf32, #tpu.memory_space<vmem>>) target(%dma_start3A_46 : memref<64xf32, #tpu.memory_space<hbm>>) target_semaphore(%run_scoped3A : memref<!tpu.dma_semaphore, #tpu.memory_space<semaphore_mem>>)
      %dma_wait3A = tpu.memref_slice %arg4[%add3A_45] : memref<4096xf32, #tpu.memory_space<hbm>> -> memref<64xf32, #tpu.memory_space<hbm>>
      %dma_wait3A_47 = tpu.memref_slice %arg4[%add3A_45] : memref<4096xf32, #tpu.memory_space<hbm>> -> memref<64xf32, #tpu.memory_space<hbm>>
      tpu.wait_dma2 semaphore(%run_scoped3A : memref<!tpu.dma_semaphore, #tpu.memory_space<semaphore_mem>>) src(%arg8 : memref<64xf32, #tpu.memory_space<vmem>>) dst(%dma_wait3A_47 : memref<64xf32, #tpu.memory_space<hbm>>)
      tpu.yield
    }) : () -> ()
    return
  }
}

#map = affine_map<(d0, d1) -> (0, 0)>
#map1 = affine_map<(d0, d1) -> (0)>
module attributes {stable_mosaic.version = 14 : i64} {
  func.func @_scatter_rows(%arg0: i32, %arg1: i32, %arg2: memref<2048x1024xf32, #tpu.memory_space<hbm>>, %arg3: memref<2048xi32, #tpu.memory_space<hbm>>, %arg4: memref<3072x1024xf32, #tpu.memory_space<hbm>>, %arg5: memref<64xi32, #tpu.memory_space<vmem>>, %arg6: memref<64x1024xf32, #tpu.memory_space<vmem>>, %arg7: memref<!tpu.dma_semaphore, #tpu.memory_space<semaphore_mem>>) attributes {dimension_semantics = [#tpu.dimension_semantics<core_parallel>, #tpu.dimension_semantics<subcore_parallel>], iteration_bounds = array<i64: 2, 16>, scalar_prefetch = 0 : i64, scratch_operands = 3 : i64, tpu.core_type = #tpu.core_type<sc_vector_subcore>, window_params = [{transform_indices = #map}, {transform_indices = #map1}, {transform_indices = #map}]} {
    %mul3A = arith.constant 2 : i32
    %mul3A_0 = arith.muli %arg1, %mul3A : i32
    %add3A = arith.addi %mul3A_0, %arg0 : i32
    %mul3A_1 = arith.constant 64 : i32
    %mul3A_2 = arith.muli %add3A, %mul3A_1 : i32
    "tpu.region"() ({
      %run_scoped3A = tpu.sem_alloc : memref<!tpu.dma_semaphore, #tpu.memory_space<semaphore_mem>>
      %dma_start3A_7 = tpu.memref_slice %arg3[%mul3A_2] : memref<2048xi32, #tpu.memory_space<hbm>> -> memref<64xi32, #tpu.memory_space<hbm>>
      %dma_start3A_8 = tpu.memref_slice %arg3[%mul3A_2] : memref<2048xi32, #tpu.memory_space<hbm>> -> memref<64xi32, #tpu.memory_space<hbm>>
      tpu.enqueue_dma source(%dma_start3A_8 : memref<64xi32, #tpu.memory_space<hbm>>) target(%arg5 : memref<64xi32, #tpu.memory_space<vmem>>) target_semaphore(%run_scoped3A : memref<!tpu.dma_semaphore, #tpu.memory_space<semaphore_mem>>)
      %dma_wait3A_9 = tpu.memref_slice %arg3[%mul3A_2] : memref<2048xi32, #tpu.memory_space<hbm>> -> memref<64xi32, #tpu.memory_space<hbm>>
      %dma_wait3A_10 = tpu.memref_slice %arg3[%mul3A_2] : memref<2048xi32, #tpu.memory_space<hbm>> -> memref<64xi32, #tpu.memory_space<hbm>>
      tpu.wait_dma2 semaphore(%run_scoped3A : memref<!tpu.dma_semaphore, #tpu.memory_space<semaphore_mem>>) src(%dma_wait3A_10 : memref<64xi32, #tpu.memory_space<hbm>>) dst(%arg5 : memref<64xi32, #tpu.memory_space<vmem>>)
      tpu.yield
    }) : () -> ()
    "tpu.region"() ({
      %run_scoped3A = tpu.sem_alloc : memref<!tpu.dma_semaphore, #tpu.memory_space<semaphore_mem>>
      %dma_start3A_7 = arith.constant 0 : i32
      %dma_start3A_8 = tpu.memref_slice %arg2[%mul3A_2, %dma_start3A_7] : memref<2048x1024xf32, #tpu.memory_space<hbm>> -> memref<64x1024xf32, #tpu.memory_space<hbm>>
      %dma_start3A_9 = arith.constant 0 : i32
      %dma_start3A_10 = tpu.memref_slice %arg2[%mul3A_2, %dma_start3A_9] : memref<2048x1024xf32, #tpu.memory_space<hbm>> -> memref<64x1024xf32, #tpu.memory_space<hbm>>
      tpu.enqueue_dma source(%dma_start3A_10 : memref<64x1024xf32, #tpu.memory_space<hbm>>) target(%arg6 : memref<64x1024xf32, #tpu.memory_space<vmem>>) target_semaphore(%run_scoped3A : memref<!tpu.dma_semaphore, #tpu.memory_space<semaphore_mem>>)
      %dma_wait3A_11 = arith.constant 0 : i32
      %dma_wait3A_12 = tpu.memref_slice %arg2[%mul3A_2, %dma_wait3A_11] : memref<2048x1024xf32, #tpu.memory_space<hbm>> -> memref<64x1024xf32, #tpu.memory_space<hbm>>
      %dma_wait3A_13 = arith.constant 0 : i32
      %dma_wait3A_14 = tpu.memref_slice %arg2[%mul3A_2, %dma_wait3A_13] : memref<2048x1024xf32, #tpu.memory_space<hbm>> -> memref<64x1024xf32, #tpu.memory_space<hbm>>
      tpu.wait_dma2 semaphore(%run_scoped3A : memref<!tpu.dma_semaphore, #tpu.memory_space<semaphore_mem>>) src(%dma_wait3A_14 : memref<64x1024xf32, #tpu.memory_space<hbm>>) dst(%arg6 : memref<64x1024xf32, #tpu.memory_space<vmem>>)
      tpu.yield
    }) : () -> ()
    %dma_start3A = arith.constant 0 : i32
    %dma_start3A_3 = arith.constant 0 : i32
    %dma_start3A_4 = tpu.memref_slice %arg4[%dma_start3A, %dma_start3A_3] : memref<3072x1024xf32, #tpu.memory_space<hbm>> -> memref<3072x1024xf32, #tpu.memory_space<hbm>>
    tpu.enqueue_indirect_dma source(%arg6 : memref<64x1024xf32, #tpu.memory_space<vmem>>) target(%dma_start3A_4 : memref<3072x1024xf32, #tpu.memory_space<hbm>>) offsets(%arg5 : memref<64xi32, #tpu.memory_space<vmem>>) semaphore(%arg7 : memref<!tpu.dma_semaphore, #tpu.memory_space<semaphore_mem>>)
    %dma_wait3A = arith.constant 0 : i32
    %dma_wait3A_5 = arith.constant 0 : i32
    %dma_wait3A_6 = tpu.memref_slice %arg4[%dma_wait3A, %dma_wait3A_5] : memref<3072x1024xf32, #tpu.memory_space<hbm>> -> memref<3072x1024xf32, #tpu.memory_space<hbm>>
    tpu.wait_indirect_dma semaphore(%arg7 : memref<!tpu.dma_semaphore, #tpu.memory_space<semaphore_mem>>) src(%arg6 : memref<64x1024xf32, #tpu.memory_space<vmem>>) dst(%dma_wait3A_6 : memref<3072x1024xf32, #tpu.memory_space<hbm>>)
    return
  }
}

module attributes {stable_mosaic.version = 14 : i64} {
  func.func @_final_body(%arg0: memref<2x2048xf32, #tpu.memory_space<vmem>>, %arg1: memref<1x2048xf32, #tpu.memory_space<vmem>>, %arg2: memref<1x2048xi32, #tpu.memory_space<vmem>>, %arg3: memref<1x1xf32, #tpu.memory_space<vmem>>, %arg4: memref<1x2048xi32, #tpu.memory_space<vmem>>) attributes {dimension_semantics = [], scalar_prefetch = 0 : i64, scratch_operands = 0 : i64, tpu.core_type = #tpu.core_type<tc>} {
    %get3A = arith.constant 0 : index
    %get3A_0 = arith.constant 0 : index
    %get3A_1 = vector.load %arg0[%get3A, %get3A_0] : memref<2x2048xf32, #tpu.memory_space<vmem>>, vector<2x2048xf32>
    %get3A_2 = arith.constant 0 : index
    %get3A_3 = arith.constant 0 : index
    %get3A_4 = vector.load %arg1[%get3A_2, %get3A_3] : memref<1x2048xf32, #tpu.memory_space<vmem>>, vector<1x2048xf32>
    %mul3A = vector.broadcast %get3A_4 : vector<1x2048xf32> to vector<2x2048xf32>
    %mul3A_5 = arith.mulf %get3A_1, %mul3A : vector<2x2048xf32>
    %reduce_max3A = arith.constant dense<0xFF800000> : vector<2048xf32>
    %reduce_max3A_6 = vector.multi_reduction <maximumf>, %mul3A_5, %reduce_max3A [0] : vector<2x2048xf32> to vector<2048xf32>
    %broadcast_in_dim3A = vector.shape_cast %reduce_max3A_6 : vector<2048xf32> to vector<1x2048xf32>
    %sub3A = vector.broadcast %broadcast_in_dim3A : vector<1x2048xf32> to vector<2x2048xf32>
    %sub3A_7 = arith.subf %mul3A_5, %sub3A : vector<2x2048xf32>
    %exp3A = math.exp %sub3A_7 : vector<2x2048xf32>
    %reduce_sum3A = arith.constant dense<0.000000e+00> : vector<2048xf32>
    %reduce_sum3A_8 = vector.multi_reduction <add>, %exp3A, %reduce_sum3A [0] : vector<2x2048xf32> to vector<2048xf32>
    %broadcast_in_dim3A_9 = vector.shape_cast %reduce_sum3A_8 : vector<2048xf32> to vector<1x2048xf32>
    %log3A = math.log %broadcast_in_dim3A_9 : vector<1x2048xf32>
    %add3A = arith.addf %broadcast_in_dim3A, %log3A : vector<1x2048xf32>
    %sub3A_10 = vector.broadcast %add3A : vector<1x2048xf32> to vector<2x2048xf32>
    %sub3A_11 = arith.subf %mul3A_5, %sub3A_10 : vector<2x2048xf32>
    %get3A_12 = arith.constant 0 : index
    %get3A_13 = arith.constant 0 : index
    %get3A_14 = vector.load %arg2[%get3A_12, %get3A_13] : memref<1x2048xi32, #tpu.memory_space<vmem>>, vector<1x2048xi32>
    %eq3A = arith.constant 1 : i32
    %eq3A_15 = vector.broadcast %eq3A : i32 to vector<1x2048xi32>
    %eq3A_16 = arith.cmpi eq, %get3A_14, %eq3A_15 : vector<1x2048xi32>
    %slice3A = vector.extract_strided_slice %sub3A_11 {offsets = [1, 0], sizes = [1, 2048], strides = [1, 1]} : vector<2x2048xf32> to vector<1x2048xf32>
    %slice3A_17 = vector.extract_strided_slice %sub3A_11 {offsets = [0, 0], sizes = [1, 2048], strides = [1, 1]} : vector<2x2048xf32> to vector<1x2048xf32>
    %select_n3A = arith.select %eq3A_16, %slice3A, %slice3A_17 : vector<1x2048xi1>, vector<1x2048xf32>
    %reduce_sum3A_18 = arith.constant dense<0.000000e+00> : vector<1xf32>
    %reduce_sum3A_19 = vector.multi_reduction <add>, %select_n3A, %reduce_sum3A_18 [1] : vector<1x2048xf32> to vector<1xf32>
    %broadcast_in_dim3A_20 = vector.shape_cast %reduce_sum3A_19 : vector<1xf32> to vector<1x1xf32>
    %neg3A = arith.constant 0.000000e+00 : f32
    %neg3A_21 = vector.broadcast %neg3A : f32 to vector<1x1xf32>
    %neg3A_22 = arith.subf %neg3A_21, %broadcast_in_dim3A_20 : vector<1x1xf32>
    %div3A = arith.constant 2.048000e+03 : f32
    %div3A_23 = vector.broadcast %div3A : f32 to vector<1x1xf32>
    %div3A_24 = arith.divf %neg3A_22, %div3A_23 : vector<1x1xf32>
    %swap3A = arith.constant 0 : index
    %swap3A_25 = arith.constant 0 : index
    %swap3A_26 = vector.load %arg3[%swap3A, %swap3A_25] : memref<1x1xf32, #tpu.memory_space<vmem>>, vector<1x1xf32>
    tpu.vector_store %arg3[%swap3A, %swap3A_25], %div3A_24 {strides = array<i32>} : memref<1x1xf32, #tpu.memory_space<vmem>>, vector<1x1xf32>,
    %slice3A_27 = vector.extract_strided_slice %mul3A_5 {offsets = [1, 0], sizes = [1, 2048], strides = [1, 1]} : vector<2x2048xf32> to vector<1x2048xf32>
    %slice3A_28 = vector.extract_strided_slice %mul3A_5 {offsets = [0, 0], sizes = [1, 2048], strides = [1, 1]} : vector<2x2048xf32> to vector<1x2048xf32>
    %gt3A = arith.cmpf ogt, %slice3A_27, %slice3A_28 : vector<1x2048xf32>
    %convert_element_type3A = arith.extui %gt3A : vector<1x2048xi1> to vector<1x2048xi32>
    %swap3A_29 = arith.constant 0 : index
    %swap3A_30 = arith.constant 0 : index
    %swap3A_31 = vector.load %arg4[%swap3A_29, %swap3A_30] : memref<1x2048xi32, #tpu.memory_space<vmem>>, vector<1x2048xi32>
    tpu.vector_store %arg4[%swap3A_29, %swap3A_30], %convert_element_type3A {strides = array<i32>} : memref<1x2048xi32, #tpu.memory_space<vmem>>, vector<1x2048xi32>,
    return
  }
}

module attributes {stable_mosaic.version = 14 : i64} {
  func.func @_ffn_body(%arg0: i32, %arg1: memref<24xi32, #tpu.memory_space<smem>>, %arg2: memref<128x1024xf32, #tpu.memory_space<vmem>>, %arg3: memref<1x1024x1024xf32, #tpu.memory_space<vmem>>, %arg4: memref<1024x8xf32, #tpu.memory_space<vmem>>, %arg5: memref<1x2x1024xf32, #tpu.memory_space<vmem>>, %arg6: memref<2x8xf32, #tpu.memory_space<vmem>>, %arg7: memref<2x128xf32, #tpu.memory_space<vmem>>) attributes {dimension_semantics = [#tpu.dimension_semantics<arbitrary>], iteration_bounds = array<i64: 24>, scalar_prefetch = 1 : i64, scratch_operands = 0 : i64, tpu.core_type = #tpu.core_type<tc>, window_params = [{transform_indices = @transform_0, window_bounds = array<i64: 128, 1024>}, {transform_indices = @transform_1, window_bounds = array<i64: 1, 1024, 1024>}, {pipeline_mode = #tpu.pipeline_mode<synchronous>, transform_indices = @transform_2, window_bounds = array<i64: 1024, 8>}, {transform_indices = @transform_3, window_bounds = array<i64: 1, 2, 1024>}, {pipeline_mode = #tpu.pipeline_mode<synchronous>, transform_indices = @transform_4, window_bounds = array<i64: 2, 8>}, {transform_indices = @transform_5, window_bounds = array<i64: 2, 128>}]} {
    %get3A = arith.index_cast %arg0 : i32 to index
    %get3A_0 = memref.load %arg1[%get3A] : memref<24xi32, #tpu.memory_space<smem>>
    %lt3A = arith.constant 8 : i32
    %lt3A_1 = arith.cmpi slt, %get3A_0, %lt3A : i32
    %convert_element_type3A = arith.extui %lt3A_1 : i1 to i32
    %cond3A = arith.constant 0 : i32
    %cond3A_2 = arith.cmpi ne, %convert_element_type3A, %cond3A : i32
    scf.if %cond3A_2 {
      %get3A_3 = arith.index_cast %arg0 : i32 to index
      %get3A_4 = memref.load %arg1[%get3A_3] : memref<24xi32, #tpu.memory_space<smem>>
      %min3A = arith.constant 7 : i32
      %min3A_5 = arith.minsi %get3A_4, %min3A : i32
      %get3A_6 = arith.constant 0 : index
      %get3A_7 = arith.constant 0 : index
      %get3A_8 = vector.load %arg2[%get3A_6, %get3A_7] : memref<128x1024xf32, #tpu.memory_space<vmem>>, vector<128x1024xf32>
      %get3A_9 = arith.constant 0 : index
      %get3A_10 = arith.constant 0 : index
      %get3A_11 = arith.constant 0 : index
      %get3A_12 = vector.load %arg3[%get3A_9, %get3A_10, %get3A_11] : memref<1x1024x1024xf32, #tpu.memory_space<vmem>>, vector<1x1024x1024xf32>
      %get3A_13 = vector.shape_cast %get3A_12 : vector<1x1024x1024xf32> to vector<1024x1024xf32>
      %iota3A = tpu.iota {dimensions = array<i32: 1>} : vector<1024x8xi32>
      %eq3A = vector.broadcast %min3A_5 : i32 to vector<1024x8xi32>
      %eq3A_14 = arith.cmpi eq, %iota3A, %eq3A : vector<1024x8xi32>
      %get3A_15 = arith.constant 0 : index
      %get3A_16 = arith.constant 0 : index
      %get3A_17 = vector.load %arg4[%get3A_15, %get3A_16] : memref<1024x8xf32, #tpu.memory_space<vmem>>, vector<1024x8xf32>
      %jit3A = arith.constant 0.000000e+00 : f32
      %broadcast_in_dim3A = vector.broadcast %jit3A : f32 to vector<1024x8xf32>
      %select_n3A = arith.select %eq3A_14, %get3A_17, %broadcast_in_dim3A : vector<1024x8xi1>, vector<1024x8xf32>
      %reduce_sum3A = arith.constant dense<0.000000e+00> : vector<1024xf32>
      %reduce_sum3A_18 = vector.multi_reduction <add>, %select_n3A, %reduce_sum3A [1] : vector<1024x8xf32> to vector<1024xf32>
      %broadcast_in_dim3A_19 = vector.shape_cast %reduce_sum3A_18 : vector<1024xf32> to vector<1024x1xf32>
      %iota3A_20 = tpu.iota {dimensions = array<i32: 1>} : vector<2x8xi32>
      %eq3A_21 = vector.broadcast %min3A_5 : i32 to vector<2x8xi32>
      %eq3A_22 = arith.cmpi eq, %iota3A_20, %eq3A_21 : vector<2x8xi32>
      %get3A_23 = arith.constant 0 : index
      %get3A_24 = arith.constant 0 : index
      %get3A_25 = vector.load %arg6[%get3A_23, %get3A_24] : memref<2x8xf32, #tpu.memory_space<vmem>>, vector<2x8xf32>
      %jit3A_26 = arith.constant 0.000000e+00 : f32
      %broadcast_in_dim3A_27 = vector.broadcast %jit3A_26 : f32 to vector<2x8xf32>
      %select_n3A_28 = arith.select %eq3A_22, %get3A_25, %broadcast_in_dim3A_27 : vector<2x8xi1>, vector<2x8xf32>
      %reduce_sum3A_29 = arith.constant dense<0.000000e+00> : vector<2xf32>
      %reduce_sum3A_30 = vector.multi_reduction <add>, %select_n3A_28, %reduce_sum3A_29 [1] : vector<2x8xf32> to vector<2xf32>
      %broadcast_in_dim3A_31 = vector.shape_cast %reduce_sum3A_30 : vector<2xf32> to vector<2x1xf32>
      %dot_general3A = arith.constant dense<0.000000e+00> : vector<1024x128xf32>
      %dot_general3A_32 = tpu.matmul %get3A_13, %get3A_8, %dot_general3A {dimension_numbers = #tpu.dot_dimension_numbers<[1], [1], [0], [0], [0, 0, 1, 0], [], []>, transpose_lhs_hint = false} : vector<1024x1024xf32>, vector<128x1024xf32>, vector<1024x128xf32> -> vector<1024x128xf32>
      %add3A = vector.broadcast %broadcast_in_dim3A_19 : vector<1024x1xf32> to vector<1024x128xf32>
      %add3A_33 = arith.addf %dot_general3A_32, %add3A : vector<1024x128xf32>
      %neg3A = arith.constant 0.000000e+00 : f32
      %neg3A_34 = vector.broadcast %neg3A : f32 to vector<1024x128xf32>
      %neg3A_35 = arith.subf %neg3A_34, %add3A_33 : vector<1024x128xf32>
      %mul3A = arith.constant 0.707106769 : f32
      %mul3A_36 = vector.broadcast %mul3A : f32 to vector<1024x128xf32>
      %mul3A_37 = arith.mulf %neg3A_35, %mul3A_36 : vector<1024x128xf32>
      %mul3A_38 = arith.constant 5.000000e-01 : f32
      %mul3A_39 = vector.broadcast %mul3A_38 : f32 to vector<1024x128xf32>
      %mul3A_40 = arith.mulf %add3A_33, %mul3A_39 : vector<1024x128xf32>
      %abs3A = math.absf %mul3A_37 : vector<1024x128xf32>
      %mul3A_41 = arith.mulf %mul3A_37, %mul3A_37 : vector<1024x128xf32>
      %mul3A_42 = arith.constant 7.85386146E-5 : f32
      %mul3A_43 = vector.broadcast %mul3A_42 : f32 to vector<1024x128xf32>
      %mul3A_44 = arith.mulf %mul3A_43, %mul3A_41 : vector<1024x128xf32>
      %add3A_45 = arith.constant -8.0101937E-4 : f32
      %add3A_46 = vector.broadcast %add3A_45 : f32 to vector<1024x128xf32>
      %add3A_47 = arith.addf %mul3A_44, %add3A_46 : vector<1024x128xf32>
      %mul3A_48 = arith.mulf %add3A_47, %mul3A_41 : vector<1024x128xf32>
      %add3A_49 = arith.constant 0.00518832775 : f32
      %add3A_50 = vector.broadcast %add3A_49 : f32 to vector<1024x128xf32>
      %add3A_51 = arith.addf %mul3A_48, %add3A_50 : vector<1024x128xf32>
      %mul3A_52 = arith.mulf %add3A_51, %mul3A_41 : vector<1024x128xf32>
      %add3A_53 = arith.constant -0.0268538129 : f32
      %add3A_54 = vector.broadcast %add3A_53 : f32 to vector<1024x128xf32>
      %add3A_55 = arith.addf %mul3A_52, %add3A_54 : vector<1024x128xf32>
      %mul3A_56 = arith.mulf %add3A_55, %mul3A_41 : vector<1024x128xf32>
      %add3A_57 = arith.constant 0.112835854 : f32
      %add3A_58 = vector.broadcast %add3A_57 : f32 to vector<1024x128xf32>
      %add3A_59 = arith.addf %mul3A_56, %add3A_58 : vector<1024x128xf32>
      %mul3A_60 = arith.mulf %add3A_59, %mul3A_41 : vector<1024x128xf32>
      %add3A_61 = arith.constant -0.37612626 : f32
      %add3A_62 = vector.broadcast %add3A_61 : f32 to vector<1024x128xf32>
      %add3A_63 = arith.addf %mul3A_60, %add3A_62 : vector<1024x128xf32>
      %mul3A_64 = arith.mulf %add3A_63, %mul3A_41 : vector<1024x128xf32>
      %add3A_65 = arith.constant 1.12837911 : f32
      %add3A_66 = vector.broadcast %add3A_65 : f32 to vector<1024x128xf32>
      %add3A_67 = arith.addf %mul3A_64, %add3A_66 : vector<1024x128xf32>
      %mul3A_68 = arith.mulf %mul3A_37, %add3A_67 : vector<1024x128xf32>
      %sub3A = arith.constant 1.000000e+00 : f32
      %sub3A_69 = vector.broadcast %sub3A : f32 to vector<1024x128xf32>
      %sub3A_70 = arith.subf %sub3A_69, %mul3A_68 : vector<1024x128xf32>
      %neg3A_71 = arith.constant 0.000000e+00 : f32
      %neg3A_72 = vector.broadcast %neg3A_71 : f32 to vector<1024x128xf32>
      %neg3A_73 = arith.subf %neg3A_72, %mul3A_41 : vector<1024x128xf32>
      %exp3A = math.exp %neg3A_73 : vector<1024x128xf32>
      %div3A = arith.constant 1.000000e+00 : f32
      %div3A_74 = vector.broadcast %div3A : f32 to vector<1024x128xf32>
      %div3A_75 = arith.divf %div3A_74, %abs3A : vector<1024x128xf32>
      %mul3A_76 = arith.mulf %exp3A, %div3A_75 : vector<1024x128xf32>
      %div3A_77 = arith.constant 1.000000e+00 : f32
      %div3A_78 = vector.broadcast %div3A_77 : f32 to vector<1024x128xf32>
      %div3A_79 = arith.divf %div3A_78, %mul3A_41 : vector<1024x128xf32>
      %mul3A_80 = arith.constant 2.326820e-02 : f32
      %mul3A_81 = vector.broadcast %mul3A_80 : f32 to vector<1024x128xf32>
      %mul3A_82 = arith.mulf %mul3A_81, %div3A_79 : vector<1024x128xf32>
      %add3A_83 = arith.constant -0.138703942 : f32
      %add3A_84 = vector.broadcast %add3A_83 : f32 to vector<1024x128xf32>
      %add3A_85 = arith.addf %mul3A_82, %add3A_84 : vector<1024x128xf32>
      %mul3A_86 = arith.mulf %add3A_85, %div3A_79 : vector<1024x128xf32>
      %add3A_87 = arith.constant 0.368742466 : f32
      %add3A_88 = vector.broadcast %add3A_87 : f32 to vector<1024x128xf32>
      %add3A_89 = arith.addf %mul3A_86, %add3A_88 : vector<1024x128xf32>
      %mul3A_90 = arith.mulf %add3A_89, %div3A_79 : vector<1024x128xf32>
      %add3A_91 = arith.constant -0.582473278 : f32
      %add3A_92 = vector.broadcast %add3A_91 : f32 to vector<1024x128xf32>
      %add3A_93 = arith.addf %mul3A_90, %add3A_92 : vector<1024x128xf32>
      %mul3A_94 = arith.mulf %add3A_93, %div3A_79 : vector<1024x128xf32>
      %add3A_95 = arith.constant 0.621000468 : f32
      %add3A_96 = vector.broadcast %add3A_95 : f32 to vector<1024x128xf32>
      %add3A_97 = arith.addf %mul3A_94, %add3A_96 : vector<1024x128xf32>
      %mul3A_98 = arith.mulf %add3A_97, %div3A_79 : vector<1024x128xf32>
      %add3A_99 = arith.constant -0.494451523 : f32
      %add3A_100 = vector.broadcast %add3A_99 : f32 to vector<1024x128xf32>
      %add3A_101 = arith.addf %mul3A_98, %add3A_100 : vector<1024x128xf32>
      %mul3A_102 = arith.mulf %add3A_101, %div3A_79 : vector<1024x128xf32>
      %add3A_103 = arith.constant 3.404880e-01 : f32
      %add3A_104 = vector.broadcast %add3A_103 : f32 to vector<1024x128xf32>
      %add3A_105 = arith.addf %mul3A_102, %add3A_104 : vector<1024x128xf32>
      %mul3A_106 = arith.mulf %add3A_105, %div3A_79 : vector<1024x128xf32>
      %add3A_107 = arith.constant -0.274112701 : f32
      %add3A_108 = vector.broadcast %add3A_107 : f32 to vector<1024x128xf32>
      %add3A_109 = arith.addf %mul3A_106, %add3A_108 : vector<1024x128xf32>
      %mul3A_110 = arith.mulf %add3A_109, %div3A_79 : vector<1024x128xf32>
      %add3A_111 = arith.constant 0.563825965 : f32
      %add3A_112 = vector.broadcast %add3A_111 : f32 to vector<1024x128xf32>
      %add3A_113 = arith.addf %mul3A_110, %add3A_112 : vector<1024x128xf32>
      %mul3A_114 = arith.constant -10.477664 : f32
      %mul3A_115 = vector.broadcast %mul3A_114 : f32 to vector<1024x128xf32>
      %mul3A_116 = arith.mulf %mul3A_115, %div3A_79 : vector<1024x128xf32>
      %add3A_117 = arith.constant 1.297720e+01 : f32
      %add3A_118 = vector.broadcast %add3A_117 : f32 to vector<1024x128xf32>
      %add3A_119 = arith.addf %mul3A_116, %add3A_118 : vector<1024x128xf32>
      %mul3A_120 = arith.mulf %add3A_119, %div3A_79 : vector<1024x128xf32>
      %add3A_121 = arith.constant -7.49551868 : f32
      %add3A_122 = vector.broadcast %add3A_121 : f32 to vector<1024x128xf32>
      %add3A_123 = arith.addf %mul3A_120, %add3A_122 : vector<1024x128xf32>
      %mul3A_124 = arith.mulf %add3A_123, %div3A_79 : vector<1024x128xf32>
      %add3A_125 = arith.constant 2.92101908 : f32
      %add3A_126 = vector.broadcast %add3A_125 : f32 to vector<1024x128xf32>
      %add3A_127 = arith.addf %mul3A_124, %add3A_126 : vector<1024x128xf32>
      %mul3A_128 = arith.mulf %add3A_127, %div3A_79 : vector<1024x128xf32>
      %add3A_129 = arith.constant -1.01526523 : f32
      %add3A_130 = vector.broadcast %add3A_129 : f32 to vector<1024x128xf32>
      %add3A_131 = arith.addf %mul3A_128, %add3A_130 : vector<1024x128xf32>
      %mul3A_132 = arith.mulf %add3A_131, %div3A_79 : vector<1024x128xf32>
      %add3A_133 = arith.constant 0.42184633 : f32
      %add3A_134 = vector.broadcast %add3A_133 : f32 to vector<1024x128xf32>
      %add3A_135 = arith.addf %mul3A_132, %add3A_134 : vector<1024x128xf32>
      %mul3A_136 = arith.mulf %add3A_135, %div3A_79 : vector<1024x128xf32>
      %add3A_137 = arith.constant -0.282076746 : f32
      %add3A_138 = vector.broadcast %add3A_137 : f32 to vector<1024x128xf32>
      %add3A_139 = arith.addf %mul3A_136, %add3A_138 : vector<1024x128xf32>
      %mul3A_140 = arith.mulf %add3A_139, %div3A_79 : vector<1024x128xf32>
      %add3A_141 = arith.constant 0.564189494 : f32
      %add3A_142 = vector.broadcast %add3A_141 : f32 to vector<1024x128xf32>
      %add3A_143 = arith.addf %mul3A_140, %add3A_142 : vector<1024x128xf32>
      %lt3A_144 = arith.constant 2.000000e+00 : f32
      %lt3A_145 = vector.broadcast %lt3A_144 : f32 to vector<1024x128xf32>
      %lt3A_146 = arith.cmpf olt, %abs3A, %lt3A_145 : vector<1024x128xf32>
      %select_n3A_147 = arith.select %lt3A_146, %add3A_113, %add3A_143 : vector<1024x128xi1>, vector<1024x128xf32>
      %mul3A_148 = arith.mulf %mul3A_76, %select_n3A_147 : vector<1024x128xf32>
      %lt3A_149 = arith.constant -88.7228394 : f32
      %lt3A_150 = vector.broadcast %lt3A_149 : f32 to vector<1024x128xf32>
      %lt3A_151 = arith.cmpf olt, %neg3A_73, %lt3A_150 : vector<1024x128xf32>
      %jit3A_152 = arith.constant 0.000000e+00 : f32
      %broadcast_in_dim3A_153 = vector.broadcast %jit3A_152 : f32 to vector<1024x128xf32>
      %select_n3A_154 = arith.select %lt3A_151, %broadcast_in_dim3A_153, %mul3A_148 : vector<1024x128xi1>, vector<1024x128xf32>
      %lt3A_155 = arith.constant 0.000000e+00 : f32
      %lt3A_156 = vector.broadcast %lt3A_155 : f32 to vector<1024x128xf32>
      %lt3A_157 = arith.cmpf olt, %mul3A_37, %lt3A_156 : vector<1024x128xf32>
      %sub3A_158 = arith.constant 2.000000e+00 : f32
      %sub3A_159 = vector.broadcast %sub3A_158 : f32 to vector<1024x128xf32>
      %sub3A_160 = arith.subf %sub3A_159, %select_n3A_154 : vector<1024x128xf32>
      %select_n3A_161 = arith.select %lt3A_157, %sub3A_160, %select_n3A_154 : vector<1024x128xi1>, vector<1024x128xf32>
      %lt3A_162 = arith.constant 1.000000e+00 : f32
      %lt3A_163 = vector.broadcast %lt3A_162 : f32 to vector<1024x128xf32>
      %lt3A_164 = arith.cmpf olt, %abs3A, %lt3A_163 : vector<1024x128xf32>
      %select_n3A_165 = arith.select %lt3A_164, %sub3A_70, %select_n3A_161 : vector<1024x128xi1>, vector<1024x128xf32>
      %mul3A_166 = arith.mulf %mul3A_40, %select_n3A_165 : vector<1024x128xf32>
      %convert_element_type3A_167 = arith.truncf %mul3A_166 : vector<1024x128xf32> to vector<1024x128xbf16>
      %get3A_168 = arith.constant 0 : index
      %get3A_169 = arith.constant 0 : index
      %get3A_170 = arith.constant 0 : index
      %get3A_171 = vector.load %arg5[%get3A_168, %get3A_169, %get3A_170] : memref<1x2x1024xf32, #tpu.memory_space<vmem>>, vector<1x2x1024xf32>
      %get3A_172 = vector.shape_cast %get3A_171 : vector<1x2x1024xf32> to vector<2x1024xf32>
      %convert_element_type3A_173 = arith.extf %convert_element_type3A_167 : vector<1024x128xbf16> to vector<1024x128xf32>
      %dot_general3A_174 = arith.constant dense<0.000000e+00> : vector<2x128xf32>
      %dot_general3A_175 = tpu.matmul %get3A_172, %convert_element_type3A_173, %dot_general3A_174 {dimension_numbers = #tpu.dot_dimension_numbers<[1], [0], [0], [1], [0, 0, 1, 1], [], []>, transpose_lhs_hint = false} : vector<2x1024xf32>, vector<1024x128xf32>, vector<2x128xf32> -> vector<2x128xf32>
      %add3A_176 = vector.broadcast %broadcast_in_dim3A_31 : vector<2x1xf32> to vector<2x128xf32>
      %add3A_177 = arith.addf %dot_general3A_175, %add3A_176 : vector<2x128xf32>
      %reduce_max3A = arith.constant dense<0xFF800000> : vector<128xf32>
      %reduce_max3A_178 = vector.multi_reduction <maximumf>, %add3A_177, %reduce_max3A [0] : vector<2x128xf32> to vector<128xf32>
      %broadcast_in_dim3A_179 = vector.shape_cast %reduce_max3A_178 : vector<128xf32> to vector<1x128xf32>
      %sub3A_180 = vector.broadcast %broadcast_in_dim3A_179 : vector<1x128xf32> to vector<2x128xf32>
      %sub3A_181 = arith.subf %add3A_177, %sub3A_180 : vector<2x128xf32>
      %exp3A_182 = math.exp %sub3A_181 : vector<2x128xf32>
      %reduce_sum3A_183 = arith.constant dense<0.000000e+00> : vector<128xf32>
      %reduce_sum3A_184 = vector.multi_reduction <add>, %exp3A_182, %reduce_sum3A_183 [0] : vector<2x128xf32> to vector<128xf32>
      %broadcast_in_dim3A_185 = vector.shape_cast %reduce_sum3A_184 : vector<128xf32> to vector<1x128xf32>
      %div3A_186 = vector.broadcast %broadcast_in_dim3A_185 : vector<1x128xf32> to vector<2x128xf32>
      %div3A_187 = arith.divf %exp3A_182, %div3A_186 : vector<2x128xf32>
      %swap3A = arith.constant 0 : index
      %swap3A_188 = arith.constant 0 : index
      %swap3A_189 = vector.load %arg7[%swap3A, %swap3A_188] : memref<2x128xf32, #tpu.memory_space<vmem>>, vector<2x128xf32>
      tpu.vector_store %arg7[%swap3A, %swap3A_188], %div3A_187 {strides = array<i32>} : memref<2x128xf32, #tpu.memory_space<vmem>>, vector<2x128xf32>,
    } else {
    }
    return
  }
  func.func @transform_0(%arg0: i32, %arg1: memref<24xi32, #tpu.memory_space<smem>>) -> (i32, i32) {
    %c0_i32 = arith.constant 0 : i32
    %c0_i32_0 = arith.constant 0 : i32
    return %arg0, %c0_i32 : i32, i32
  }
  func.func @transform_1(%arg0: i32, %arg1: memref<24xi32, #tpu.memory_space<smem>>) -> (i32, i32, i32) {
    %get3A = arith.index_cast %arg0 : i32 to index
    %get3A_0 = memref.load %arg1[%get3A] : memref<24xi32, #tpu.memory_space<smem>>
    %min3A = arith.constant 7 : i32
    %min3A_1 = arith.minsi %get3A_0, %min3A : i32
    %c0_i32 = arith.constant 0 : i32
    %c0_i32_2 = arith.constant 0 : i32
    %c0_i32_3 = arith.constant 0 : i32
    return %min3A_1, %c0_i32, %c0_i32_2 : i32, i32, i32
  }
  func.func @transform_2(%arg0: i32, %arg1: memref<24xi32, #tpu.memory_space<smem>>) -> (i32, i32) {
    %c0_i32 = arith.constant 0 : i32
    %c0_i32_0 = arith.constant 0 : i32
    %c0_i32_1 = arith.constant 0 : i32
    return %c0_i32, %c0_i32_0 : i32, i32
  }
  func.func @transform_3(%arg0: i32, %arg1: memref<24xi32, #tpu.memory_space<smem>>) -> (i32, i32, i32) {
    %get3A = arith.index_cast %arg0 : i32 to index
    %get3A_0 = memref.load %arg1[%get3A] : memref<24xi32, #tpu.memory_space<smem>>
    %min3A = arith.constant 7 : i32
    %min3A_1 = arith.minsi %get3A_0, %min3A : i32
    %c0_i32 = arith.constant 0 : i32
    %c0_i32_2 = arith.constant 0 : i32
    %c0_i32_3 = arith.constant 0 : i32
    return %min3A_1, %c0_i32, %c0_i32_2 : i32, i32, i32
  }
  func.func @transform_4(%arg0: i32, %arg1: memref<24xi32, #tpu.memory_space<smem>>) -> (i32, i32) {
    %c0_i32 = arith.constant 0 : i32
    %c0_i32_0 = arith.constant 0 : i32
    %c0_i32_1 = arith.constant 0 : i32
    return %c0_i32, %c0_i32_0 : i32, i32
  }
  func.func @transform_5(%arg0: i32, %arg1: memref<24xi32, #tpu.memory_space<smem>>) -> (i32, i32) {
    %c0_i32 = arith.constant 0 : i32
    %c0_i32_0 = arith.constant 0 : i32
    return %c0_i32, %arg0 : i32, i32
  }
}

module attributes {stable_mosaic.version = 14 : i64} {
  func.func @_router_body(%arg0: memref<2048x1024xf32, #tpu.memory_space<vmem>>, %arg1: memref<8x1024xf32, #tpu.memory_space<vmem>>, %arg2: memref<1x2048xi32, #tpu.memory_space<vmem>>, %arg3: memref<1x24xi32, #tpu.memory_space<vmem>>, %arg4: memref<1x2048xf32, #tpu.memory_space<vmem>>, %arg5: memref<1x8xf32, #tpu.memory_space<vmem>>) attributes {dimension_semantics = [], scalar_prefetch = 0 : i64, scratch_operands = 0 : i64, tpu.core_type = #tpu.core_type<tc>} {
    %get3A = arith.constant 0 : index
    %get3A_0 = arith.constant 0 : index
    %get3A_1 = vector.load %arg0[%get3A, %get3A_0] : memref<2048x1024xf32, #tpu.memory_space<vmem>>, vector<2048x1024xf32>
    %get3A_2 = arith.constant 0 : index
    %get3A_3 = arith.constant 0 : index
    %get3A_4 = vector.load %arg1[%get3A_2, %get3A_3] : memref<8x1024xf32, #tpu.memory_space<vmem>>, vector<8x1024xf32>
    %dot_general3A = arith.constant dense<0.000000e+00> : vector<8x2048xf32>
    %dot_general3A_5 = tpu.matmul %get3A_4, %get3A_1, %dot_general3A {dimension_numbers = #tpu.dot_dimension_numbers<[1], [1], [0], [0], [0, 0, 1, 0], [], []>, transpose_lhs_hint = false} : vector<8x1024xf32>, vector<2048x1024xf32>, vector<8x2048xf32> -> vector<8x2048xf32>
    %reduce_max3A = arith.constant dense<0xFF800000> : vector<2048xf32>
    %reduce_max3A_6 = vector.multi_reduction <maximumf>, %dot_general3A_5, %reduce_max3A [0] : vector<8x2048xf32> to vector<2048xf32>
    %broadcast_in_dim3A = vector.shape_cast %reduce_max3A_6 : vector<2048xf32> to vector<1x2048xf32>
    %sub3A = vector.broadcast %broadcast_in_dim3A : vector<1x2048xf32> to vector<8x2048xf32>
    %sub3A_7 = arith.subf %dot_general3A_5, %sub3A : vector<8x2048xf32>
    %exp3A = math.exp %sub3A_7 : vector<8x2048xf32>
    %reduce_sum3A = arith.constant dense<0.000000e+00> : vector<2048xf32>
    %reduce_sum3A_8 = vector.multi_reduction <add>, %exp3A, %reduce_sum3A [0] : vector<8x2048xf32> to vector<2048xf32>
    %broadcast_in_dim3A_9 = vector.shape_cast %reduce_sum3A_8 : vector<2048xf32> to vector<1x2048xf32>
    %div3A = vector.broadcast %broadcast_in_dim3A_9 : vector<1x2048xf32> to vector<8x2048xf32>
    %div3A_10 = arith.divf %exp3A, %div3A : vector<8x2048xf32>
    %iota3A = tpu.iota {dimensions = array<i32: 0>} : vector<8x2048xi32>
    %eq3A = vector.broadcast %broadcast_in_dim3A : vector<1x2048xf32> to vector<8x2048xf32>
    %eq3A_11 = arith.cmpf oeq, %dot_general3A_5, %eq3A : vector<8x2048xf32>
    %jit3A = arith.constant 8 : i32
    %broadcast_in_dim3A_12 = vector.broadcast %jit3A : i32 to vector<8x2048xi32>
    %select_n3A = arith.select %eq3A_11, %iota3A, %broadcast_in_dim3A_12 : vector<8x2048xi1>, vector<8x2048xi32>
    %reduce_min3A = arith.constant dense<2147483647> : vector<2048xi32>
    %reduce_min3A_13 = vector.multi_reduction <minsi>, %select_n3A, %reduce_min3A [0] : vector<8x2048xi32> to vector<2048xi32>
    %broadcast_in_dim3A_14 = vector.shape_cast %reduce_min3A_13 : vector<2048xi32> to vector<1x2048xi32>
    %eq3A_15 = vector.broadcast %broadcast_in_dim3A_14 : vector<1x2048xi32> to vector<8x2048xi32>
    %eq3A_16 = arith.cmpi eq, %iota3A, %eq3A_15 : vector<8x2048xi32>
    %convert_element_type3A = arith.extui %eq3A_16 : vector<8x2048xi1> to vector<8x2048xi32>
    %convert_element_type3A_17 = arith.sitofp %convert_element_type3A : vector<8x2048xi32> to vector<8x2048xf32>
    %div3A_18 = arith.constant 1.000000e+00 : f32
    %div3A_19 = vector.broadcast %div3A_18 : f32 to vector<1x2048xf32>
    %div3A_20 = arith.divf %div3A_19, %broadcast_in_dim3A_9 : vector<1x2048xf32>
    %sub3A_21 = arith.constant 1.000000e+00 : f32
    %sub3A_22 = vector.broadcast %sub3A_21 : f32 to vector<1x2048xf32>
    %sub3A_23 = arith.subf %sub3A_22, %div3A_20 : vector<1x2048xf32>
    %add3A = arith.addf %div3A_20, %sub3A_23 : vector<1x2048xf32>
    %swap3A = arith.constant 0 : index
    %swap3A_24 = arith.constant 0 : index
    %swap3A_25 = vector.load %arg4[%swap3A, %swap3A_24] : memref<1x2048xf32, #tpu.memory_space<vmem>>, vector<1x2048xf32>
    tpu.vector_store %arg4[%swap3A, %swap3A_24], %add3A {strides = array<i32>} : memref<1x2048xf32, #tpu.memory_space<vmem>>, vector<1x2048xf32>,
    %log3A = math.log %broadcast_in_dim3A_9 : vector<1x2048xf32>
    %add3A_26 = arith.addf %broadcast_in_dim3A, %log3A : vector<1x2048xf32>
    %mul3A = arith.mulf %add3A_26, %add3A_26 : vector<1x2048xf32>
    %reduce_sum3A_27 = arith.constant dense<0.000000e+00> : vector<1xf32>
    %reduce_sum3A_28 = vector.multi_reduction <add>, %mul3A, %reduce_sum3A_27 [1] : vector<1x2048xf32> to vector<1xf32>
    %broadcast_in_dim3A_29 = vector.shape_cast %reduce_sum3A_28 : vector<1xf32> to vector<1x1xf32>
    %reduce_sum3A_30 = arith.constant dense<0.000000e+00> : vector<8xf32>
    %reduce_sum3A_31 = vector.multi_reduction <add>, %div3A_10, %reduce_sum3A_30 [1] : vector<8x2048xf32> to vector<8xf32>
    %broadcast_in_dim3A_32 = vector.shape_cast %reduce_sum3A_31 : vector<8xf32> to vector<8x1xf32>
    %reduce_sum3A_33 = arith.constant dense<0.000000e+00> : vector<8xf32>
    %reduce_sum3A_34 = vector.multi_reduction <add>, %convert_element_type3A_17, %reduce_sum3A_33 [1] : vector<8x2048xf32> to vector<8xf32>
    %broadcast_in_dim3A_35 = vector.shape_cast %reduce_sum3A_34 : vector<8xf32> to vector<8x1xf32>
    %mul3A_36 = arith.mulf %broadcast_in_dim3A_32, %broadcast_in_dim3A_35 : vector<8x1xf32>
    %reduce_sum3A_37 = arith.constant dense<0.000000e+00> : vector<1xf32>
    %reduce_sum3A_38 = vector.multi_reduction <add>, %mul3A_36, %reduce_sum3A_37 [0] : vector<8x1xf32> to vector<1xf32>
    %broadcast_in_dim3A_39 = vector.shape_cast %reduce_sum3A_38 : vector<1xf32> to vector<1x1xf32>
    %mul3A_40 = arith.constant 1.90734863E-6 : f32
    %mul3A_41 = vector.broadcast %mul3A_40 : f32 to vector<1x1xf32>
    %mul3A_42 = arith.mulf %broadcast_in_dim3A_39, %mul3A_41 : vector<1x1xf32>
    %div3A_43 = arith.constant 2.048000e+03 : f32
    %div3A_44 = vector.broadcast %div3A_43 : f32 to vector<1x1xf32>
    %div3A_45 = arith.divf %broadcast_in_dim3A_29, %div3A_44 : vector<1x1xf32>
    %broadcast_in_dim3A_46 = arith.constant 0.000000e+00 : f32
    %broadcast_in_dim3A_47 = vector.broadcast %broadcast_in_dim3A_46 : f32 to vector<1x6xf32>
    %concatenate3A = tpu.concatenate %mul3A_42, %div3A_45, %broadcast_in_dim3A_47 in 1 : vector<1x1xf32>, vector<1x1xf32>, vector<1x6xf32> -> vector<1x8xf32>
    %swap3A_48 = arith.constant 0 : index
    %swap3A_49 = arith.constant 0 : index
    %swap3A_50 = vector.load %arg5[%swap3A_48, %swap3A_49] : memref<1x8xf32, #tpu.memory_space<vmem>>, vector<1x8xf32>
    tpu.vector_store %arg5[%swap3A_48, %swap3A_49], %concatenate3A {strides = array<i32>} : memref<1x8xf32, #tpu.memory_space<vmem>>, vector<1x8xf32>,
    %iota3A_51 = tpu.iota {dimensions = array<i32: 0>} : vector<256x256xi32>
    %iota3A_52 = tpu.iota {dimensions = array<i32: 1>} : vector<256x256xi32>
    %le3A = arith.cmpi sle, %iota3A_51, %iota3A_52 : vector<256x256xi32>
    %convert_element_type3A_53 = arith.extui %le3A : vector<256x256xi1> to vector<256x256xi32>
    %convert_element_type3A_54 = arith.sitofp %convert_element_type3A_53 : vector<256x256xi32> to vector<256x256xf32>
    %broadcast_in_dim3A_55 = arith.constant 0.000000e+00 : f32
    %broadcast_in_dim3A_56 = vector.broadcast %broadcast_in_dim3A_55 : f32 to vector<8x1xf32>
    %slice3A = vector.extract_strided_slice %convert_element_type3A_17 {offsets = [0, 0], sizes = [8, 256], strides = [1, 1]} : vector<8x2048xf32> to vector<8x256xf32>
    %dot_general3A_57 = arith.constant dense<0.000000e+00> : vector<8x256xf32>
    %dot_general3A_58 = tpu.matmul %slice3A, %convert_element_type3A_54, %dot_general3A_57 {dimension_numbers = #tpu.dot_dimension_numbers<[1], [0], [0], [1], [0, 0, 1, 1], [], []>, transpose_lhs_hint = false} : vector<8x256xf32>, vector<256x256xf32>, vector<8x256xf32> -> vector<8x256xf32>
    %add3A_59 = vector.broadcast %broadcast_in_dim3A_56 : vector<8x1xf32> to vector<8x256xf32>
    %add3A_60 = arith.addf %dot_general3A_58, %add3A_59 : vector<8x256xf32>
    %reduce_sum3A_61 = arith.constant dense<0.000000e+00> : vector<8xf32>
    %reduce_sum3A_62 = vector.multi_reduction <add>, %slice3A, %reduce_sum3A_61 [1] : vector<8x256xf32> to vector<8xf32>
    %broadcast_in_dim3A_63 = vector.shape_cast %reduce_sum3A_62 : vector<8xf32> to vector<8x1xf32>
    %add3A_64 = arith.addf %broadcast_in_dim3A_56, %broadcast_in_dim3A_63 : vector<8x1xf32>
    %slice3A_65 = vector.extract_strided_slice %convert_element_type3A_17 {offsets = [0, 256], sizes = [8, 256], strides = [1, 1]} : vector<8x2048xf32> to vector<8x256xf32>
    %dot_general3A_66 = arith.constant dense<0.000000e+00> : vector<8x256xf32>
    %dot_general3A_67 = tpu.matmul %slice3A_65, %convert_element_type3A_54, %dot_general3A_66 {dimension_numbers = #tpu.dot_dimension_numbers<[1], [0], [0], [1], [0, 0, 1, 1], [], []>, transpose_lhs_hint = false} : vector<8x256xf32>, vector<256x256xf32>, vector<8x256xf32> -> vector<8x256xf32>
    %add3A_68 = vector.broadcast %add3A_64 : vector<8x1xf32> to vector<8x256xf32>
    %add3A_69 = arith.addf %dot_general3A_67, %add3A_68 : vector<8x256xf32>
    %reduce_sum3A_70 = arith.constant dense<0.000000e+00> : vector<8xf32>
    %reduce_sum3A_71 = vector.multi_reduction <add>, %slice3A_65, %reduce_sum3A_70 [1] : vector<8x256xf32> to vector<8xf32>
    %broadcast_in_dim3A_72 = vector.shape_cast %reduce_sum3A_71 : vector<8xf32> to vector<8x1xf32>
    %add3A_73 = arith.addf %add3A_64, %broadcast_in_dim3A_72 : vector<8x1xf32>
    %slice3A_74 = vector.extract_strided_slice %convert_element_type3A_17 {offsets = [0, 512], sizes = [8, 256], strides = [1, 1]} : vector<8x2048xf32> to vector<8x256xf32>
    %dot_general3A_75 = arith.constant dense<0.000000e+00> : vector<8x256xf32>
    %dot_general3A_76 = tpu.matmul %slice3A_74, %convert_element_type3A_54, %dot_general3A_75 {dimension_numbers = #tpu.dot_dimension_numbers<[1], [0], [0], [1], [0, 0, 1, 1], [], []>, transpose_lhs_hint = false} : vector<8x256xf32>, vector<256x256xf32>, vector<8x256xf32> -> vector<8x256xf32>
    %add3A_77 = vector.broadcast %add3A_73 : vector<8x1xf32> to vector<8x256xf32>
    %add3A_78 = arith.addf %dot_general3A_76, %add3A_77 : vector<8x256xf32>
    %reduce_sum3A_79 = arith.constant dense<0.000000e+00> : vector<8xf32>
    %reduce_sum3A_80 = vector.multi_reduction <add>, %slice3A_74, %reduce_sum3A_79 [1] : vector<8x256xf32> to vector<8xf32>
    %broadcast_in_dim3A_81 = vector.shape_cast %reduce_sum3A_80 : vector<8xf32> to vector<8x1xf32>
    %add3A_82 = arith.addf %add3A_73, %broadcast_in_dim3A_81 : vector<8x1xf32>
    %slice3A_83 = vector.extract_strided_slice %convert_element_type3A_17 {offsets = [0, 768], sizes = [8, 256], strides = [1, 1]} : vector<8x2048xf32> to vector<8x256xf32>
    %dot_general3A_84 = arith.constant dense<0.000000e+00> : vector<8x256xf32>
    %dot_general3A_85 = tpu.matmul %slice3A_83, %convert_element_type3A_54, %dot_general3A_84 {dimension_numbers = #tpu.dot_dimension_numbers<[1], [0], [0], [1], [0, 0, 1, 1], [], []>, transpose_lhs_hint = false} : vector<8x256xf32>, vector<256x256xf32>, vector<8x256xf32> -> vector<8x256xf32>
    %add3A_86 = vector.broadcast %add3A_82 : vector<8x1xf32> to vector<8x256xf32>
    %add3A_87 = arith.addf %dot_general3A_85, %add3A_86 : vector<8x256xf32>
    %reduce_sum3A_88 = arith.constant dense<0.000000e+00> : vector<8xf32>
    %reduce_sum3A_89 = vector.multi_reduction <add>, %slice3A_83, %reduce_sum3A_88 [1] : vector<8x256xf32> to vector<8xf32>
    %broadcast_in_dim3A_90 = vector.shape_cast %reduce_sum3A_89 : vector<8xf32> to vector<8x1xf32>
    %add3A_91 = arith.addf %add3A_82, %broadcast_in_dim3A_90 : vector<8x1xf32>
    %slice3A_92 = vector.extract_strided_slice %convert_element_type3A_17 {offsets = [0, 1024], sizes = [8, 256], strides = [1, 1]} : vector<8x2048xf32> to vector<8x256xf32>
    %dot_general3A_93 = arith.constant dense<0.000000e+00> : vector<8x256xf32>
    %dot_general3A_94 = tpu.matmul %slice3A_92, %convert_element_type3A_54, %dot_general3A_93 {dimension_numbers = #tpu.dot_dimension_numbers<[1], [0], [0], [1], [0, 0, 1, 1], [], []>, transpose_lhs_hint = false} : vector<8x256xf32>, vector<256x256xf32>, vector<8x256xf32> -> vector<8x256xf32>
    %add3A_95 = vector.broadcast %add3A_91 : vector<8x1xf32> to vector<8x256xf32>
    %add3A_96 = arith.addf %dot_general3A_94, %add3A_95 : vector<8x256xf32>
    %reduce_sum3A_97 = arith.constant dense<0.000000e+00> : vector<8xf32>
    %reduce_sum3A_98 = vector.multi_reduction <add>, %slice3A_92, %reduce_sum3A_97 [1] : vector<8x256xf32> to vector<8xf32>
    %broadcast_in_dim3A_99 = vector.shape_cast %reduce_sum3A_98 : vector<8xf32> to vector<8x1xf32>
    %add3A_100 = arith.addf %add3A_91, %broadcast_in_dim3A_99 : vector<8x1xf32>
    %slice3A_101 = vector.extract_strided_slice %convert_element_type3A_17 {offsets = [0, 1280], sizes = [8, 256], strides = [1, 1]} : vector<8x2048xf32> to vector<8x256xf32>
    %dot_general3A_102 = arith.constant dense<0.000000e+00> : vector<8x256xf32>
    %dot_general3A_103 = tpu.matmul %slice3A_101, %convert_element_type3A_54, %dot_general3A_102 {dimension_numbers = #tpu.dot_dimension_numbers<[1], [0], [0], [1], [0, 0, 1, 1], [], []>, transpose_lhs_hint = false} : vector<8x256xf32>, vector<256x256xf32>, vector<8x256xf32> -> vector<8x256xf32>
    %add3A_104 = vector.broadcast %add3A_100 : vector<8x1xf32> to vector<8x256xf32>
    %add3A_105 = arith.addf %dot_general3A_103, %add3A_104 : vector<8x256xf32>
    %reduce_sum3A_106 = arith.constant dense<0.000000e+00> : vector<8xf32>
    %reduce_sum3A_107 = vector.multi_reduction <add>, %slice3A_101, %reduce_sum3A_106 [1] : vector<8x256xf32> to vector<8xf32>
    %broadcast_in_dim3A_108 = vector.shape_cast %reduce_sum3A_107 : vector<8xf32> to vector<8x1xf32>
    %add3A_109 = arith.addf %add3A_100, %broadcast_in_dim3A_108 : vector<8x1xf32>
    %slice3A_110 = vector.extract_strided_slice %convert_element_type3A_17 {offsets = [0, 1536], sizes = [8, 256], strides = [1, 1]} : vector<8x2048xf32> to vector<8x256xf32>
    %dot_general3A_111 = arith.constant dense<0.000000e+00> : vector<8x256xf32>
    %dot_general3A_112 = tpu.matmul %slice3A_110, %convert_element_type3A_54, %dot_general3A_111 {dimension_numbers = #tpu.dot_dimension_numbers<[1], [0], [0], [1], [0, 0, 1, 1], [], []>, transpose_lhs_hint = false} : vector<8x256xf32>, vector<256x256xf32>, vector<8x256xf32> -> vector<8x256xf32>
    %add3A_113 = vector.broadcast %add3A_109 : vector<8x1xf32> to vector<8x256xf32>
    %add3A_114 = arith.addf %dot_general3A_112, %add3A_113 : vector<8x256xf32>
    %reduce_sum3A_115 = arith.constant dense<0.000000e+00> : vector<8xf32>
    %reduce_sum3A_116 = vector.multi_reduction <add>, %slice3A_110, %reduce_sum3A_115 [1] : vector<8x256xf32> to vector<8xf32>
    %broadcast_in_dim3A_117 = vector.shape_cast %reduce_sum3A_116 : vector<8xf32> to vector<8x1xf32>
    %add3A_118 = arith.addf %add3A_109, %broadcast_in_dim3A_117 : vector<8x1xf32>
    %slice3A_119 = vector.extract_strided_slice %convert_element_type3A_17 {offsets = [0, 1792], sizes = [8, 256], strides = [1, 1]} : vector<8x2048xf32> to vector<8x256xf32>
    %dot_general3A_120 = arith.constant dense<0.000000e+00> : vector<8x256xf32>
    %dot_general3A_121 = tpu.matmul %slice3A_119, %convert_element_type3A_54, %dot_general3A_120 {dimension_numbers = #tpu.dot_dimension_numbers<[1], [0], [0], [1], [0, 0, 1, 1], [], []>, transpose_lhs_hint = false} : vector<8x256xf32>, vector<256x256xf32>, vector<8x256xf32> -> vector<8x256xf32>
    %add3A_122 = vector.broadcast %add3A_118 : vector<8x1xf32> to vector<8x256xf32>
    %add3A_123 = arith.addf %dot_general3A_121, %add3A_122 : vector<8x256xf32>
    %reduce_sum3A_124 = arith.constant dense<0.000000e+00> : vector<8xf32>
    %reduce_sum3A_125 = vector.multi_reduction <add>, %slice3A_119, %reduce_sum3A_124 [1] : vector<8x256xf32> to vector<8xf32>
    %broadcast_in_dim3A_126 = vector.shape_cast %reduce_sum3A_125 : vector<8xf32> to vector<8x1xf32>
    %add3A_127 = arith.addf %add3A_118, %broadcast_in_dim3A_126 : vector<8x1xf32>
    %concatenate3A_128 = tpu.concatenate %add3A_60, %add3A_69, %add3A_78, %add3A_87, %add3A_96, %add3A_105, %add3A_114, %add3A_123 in 1 : vector<8x256xf32>, vector<8x256xf32>, vector<8x256xf32>, vector<8x256xf32>, vector<8x256xf32>, vector<8x256xf32>, vector<8x256xf32>, vector<8x256xf32> -> vector<8x2048xf32>
    %convert_element_type3A_129 = arith.fptosi %add3A_127 : vector<8x1xf32> to vector<8x1xi32>
    %add3A_130 = arith.constant 127 : i32
    %add3A_131 = vector.broadcast %add3A_130 : i32 to vector<8x1xi32>
    %add3A_132 = arith.addi %convert_element_type3A_129, %add3A_131 : vector<8x1xi32>
    %jit3A_133 = arith.constant 128 : i32
    %div3A_134 = vector.broadcast %jit3A_133 : i32 to vector<8x1xi32>
    %div3A_135 = arith.divsi %add3A_132, %div3A_134 : vector<8x1xi32>
    %sign3A = arith.constant 0 : i32
    %sign3A_136 = vector.broadcast %sign3A : i32 to vector<8x1xi32>
    %sign3A_137 = arith.cmpi sgt, %add3A_132, %sign3A_136 : vector<8x1xi32>
    %sign3A_138 = arith.extui %sign3A_137 : vector<8x1xi1> to vector<8x1xi32>
    %sign3A_139 = arith.constant 0 : i32
    %sign3A_140 = vector.broadcast %sign3A_139 : i32 to vector<8x1xi32>
    %sign3A_141 = arith.cmpi slt, %add3A_132, %sign3A_140 : vector<8x1xi32>
    %sign3A_142 = arith.extui %sign3A_141 : vector<8x1xi1> to vector<8x1xi32>
    %sign3A_143 = arith.subi %sign3A_138, %sign3A_142 : vector<8x1xi32>
    %sign3A_144 = arith.constant 0 : i32
    %sign3A_145 = arith.cmpi sgt, %jit3A_133, %sign3A_144 : i32
    %sign3A_146 = arith.extui %sign3A_145 : i1 to i32
    %sign3A_147 = arith.constant 0 : i32
    %sign3A_148 = arith.cmpi slt, %jit3A_133, %sign3A_147 : i32
    %sign3A_149 = arith.extui %sign3A_148 : i1 to i32
    %sign3A_150 = arith.subi %sign3A_146, %sign3A_149 : i32
    %ne3A = vector.broadcast %sign3A_150 : i32 to vector<8x1xi32>
    %ne3A_151 = arith.cmpi ne, %sign3A_143, %ne3A : vector<8x1xi32>
    %rem3A = vector.broadcast %jit3A_133 : i32 to vector<8x1xi32>
    %rem3A_152 = arith.remsi %add3A_132, %rem3A : vector<8x1xi32>
    %ne3A_153 = arith.constant 0 : i32
    %ne3A_154 = vector.broadcast %ne3A_153 : i32 to vector<8x1xi32>
    %ne3A_155 = arith.cmpi ne, %rem3A_152, %ne3A_154 : vector<8x1xi32>
    %and3A = arith.andi %ne3A_151, %ne3A_155 : vector<8x1xi1>
    %sub3A_156 = arith.constant 1 : i32
    %sub3A_157 = vector.broadcast %sub3A_156 : i32 to vector<8x1xi32>
    %sub3A_158 = arith.subi %div3A_135, %sub3A_157 : vector<8x1xi32>
    %select_n3A_159 = arith.select %and3A, %sub3A_158, %div3A_135 : vector<8x1xi1>, vector<8x1xi32>
    %mul3A_160 = arith.constant 128 : i32
    %mul3A_161 = vector.broadcast %mul3A_160 : i32 to vector<8x1xi32>
    %mul3A_162 = arith.muli %select_n3A_159, %mul3A_161 : vector<8x1xi32>
    %iota3A_163 = tpu.iota {dimensions = array<i32: 0>} : vector<8x8xi32>
    %iota3A_164 = tpu.iota {dimensions = array<i32: 1>} : vector<8x8xi32>
    %lt3A = arith.cmpi slt, %iota3A_164, %iota3A_163 : vector<8x8xi32>
    %convert_element_type3A_165 = arith.extui %lt3A : vector<8x8xi1> to vector<8x8xi32>
    %convert_element_type3A_166 = arith.sitofp %convert_element_type3A_165 : vector<8x8xi32> to vector<8x8xf32>
    %convert_element_type3A_167 = arith.sitofp %mul3A_162 : vector<8x1xi32> to vector<8x1xf32>
    %dot_general3A_168 = arith.constant dense<0.000000e+00> : vector<8x1xf32>
    %dot_general3A_169 = tpu.matmul %convert_element_type3A_166, %convert_element_type3A_167, %dot_general3A_168 {dimension_numbers = #tpu.dot_dimension_numbers<[1], [0], [0], [1], [0, 0, 1, 1], [], []>, transpose_lhs_hint = false} : vector<8x8xf32>, vector<8x1xf32>, vector<8x1xf32> -> vector<8x1xf32>
    %add3A_170 = vector.broadcast %dot_general3A_169 : vector<8x1xf32> to vector<8x2048xf32>
    %add3A_171 = arith.addf %add3A_170, %concatenate3A_128 : vector<8x2048xf32>
    %sub3A_172 = arith.constant 1.000000e+00 : f32
    %sub3A_173 = vector.broadcast %sub3A_172 : f32 to vector<8x2048xf32>
    %sub3A_174 = arith.subf %add3A_171, %sub3A_173 : vector<8x2048xf32>
    %mul3A_175 = arith.mulf %convert_element_type3A_17, %sub3A_174 : vector<8x2048xf32>
    %reduce_sum3A_176 = arith.constant dense<0.000000e+00> : vector<2048xf32>
    %reduce_sum3A_177 = vector.multi_reduction <add>, %mul3A_175, %reduce_sum3A_176 [0] : vector<8x2048xf32> to vector<2048xf32>
    %broadcast_in_dim3A_178 = vector.shape_cast %reduce_sum3A_177 : vector<2048xf32> to vector<1x2048xf32>
    %convert_element_type3A_179 = arith.fptosi %broadcast_in_dim3A_178 : vector<1x2048xf32> to vector<1x2048xi32>
    %swap3A_180 = arith.constant 0 : index
    %swap3A_181 = arith.constant 0 : index
    %swap3A_182 = vector.load %arg2[%swap3A_180, %swap3A_181] : memref<1x2048xi32, #tpu.memory_space<vmem>>, vector<1x2048xi32>
    tpu.vector_store %arg2[%swap3A_180, %swap3A_181], %convert_element_type3A_179 {strides = array<i32>} : memref<1x2048xi32, #tpu.memory_space<vmem>>, vector<1x2048xi32>,
    %convert_element_type3A_183 = arith.sitofp %mul3A_162 : vector<8x1xi32> to vector<8x1xf32>
    %add3A_184 = arith.addf %dot_general3A_169, %convert_element_type3A_183 : vector<8x1xf32>
    %convert_element_type3A_185 = arith.fptosi %add3A_184 : vector<8x1xf32> to vector<8x1xi32>
    %iota3A_186 = tpu.iota {dimensions = array<i32: 1>} : vector<8x24xi32>
    %mul3A_187 = arith.constant 128 : i32
    %mul3A_188 = vector.broadcast %mul3A_187 : i32 to vector<8x24xi32>
    %mul3A_189 = arith.muli %iota3A_186, %mul3A_188 : vector<8x24xi32>
    %le3A_190 = vector.broadcast %convert_element_type3A_185 : vector<8x1xi32> to vector<8x24xi32>
    %le3A_191 = arith.cmpi sle, %le3A_190, %mul3A_189 : vector<8x24xi32>
    %convert_element_type3A_192 = arith.extui %le3A_191 : vector<8x24xi1> to vector<8x24xi32>
    %reduce_sum3A_193 = arith.constant dense<0> : vector<24xi32>
    %reduce_sum3A_194 = vector.multi_reduction <add>, %convert_element_type3A_192, %reduce_sum3A_193 [0] : vector<8x24xi32> to vector<24xi32>
    %broadcast_in_dim3A_195 = vector.shape_cast %reduce_sum3A_194 : vector<24xi32> to vector<1x24xi32>
    %min3A = arith.constant 7 : i32
    %min3A_196 = vector.broadcast %min3A : i32 to vector<1x24xi32>
    %min3A_197 = arith.minsi %broadcast_in_dim3A_195, %min3A_196 : vector<1x24xi32>
    %reduce_sum3A_198 = arith.constant dense<0> : vector<1xi32>
    %reduce_sum3A_199 = vector.multi_reduction <add>, %mul3A_162, %reduce_sum3A_198 [0] : vector<8x1xi32> to vector<1xi32>
    %broadcast_in_dim3A_200 = vector.shape_cast %reduce_sum3A_199 : vector<1xi32> to vector<1x1xi32>
    %slice3A_201 = vector.extract_strided_slice %mul3A_189 {offsets = [0, 0], sizes = [1, 24], strides = [1, 1]} : vector<8x24xi32> to vector<1x24xi32>
    %lt3A_202 = vector.broadcast %broadcast_in_dim3A_200 : vector<1x1xi32> to vector<1x24xi32>
    %lt3A_203 = arith.cmpi slt, %slice3A_201, %lt3A_202 : vector<1x24xi32>
    %jit3A_204 = arith.constant 8 : i32
    %broadcast_in_dim3A_205 = vector.broadcast %jit3A_204 : i32 to vector<1x24xi32>
    %select_n3A_206 = arith.select %lt3A_203, %min3A_197, %broadcast_in_dim3A_205 : vector<1x24xi1>, vector<1x24xi32>
    %swap3A_207 = arith.constant 0 : index
    %swap3A_208 = arith.constant 0 : index
    %swap3A_209 = vector.load %arg3[%swap3A_207, %swap3A_208] : memref<1x24xi32, #tpu.memory_space<vmem>>, vector<1x24xi32>
    tpu.vector_store %arg3[%swap3A_207, %swap3A_208], %select_n3A_206 {strides = array<i32>} : memref<1x24xi32, #tpu.memory_space<vmem>>, vector<1x24xi32>,
    return
  }
}

</mosaic_0001>

<sc_bundles>
// kernel: kernel.10.cloned.1.call-start
scs
__scs_entry_jumppad:
0x0: {  	(pc) =	sbr.rel $0x88, $3  }
0x1: {  	(tag) =	ssettag $0x0;
	lr =	simm.s32 $0x1  }
0x2: {  	[smem:$0x3F9A] =	sst lr;
	_ =	strace $0xD0000000  }
0x3: {  	_ = 	snop  }
0x4: {  	_ = 	snop  }
0x5: {  	_ = 	snop  }
0x6: {  	_ = 	snop  }
0x7: {  	_ = 	snop  }
__scs_overlays_trampoline_lowered:
0x8: {  	[smem:$0x3FA9] =	sst s0  }
0x9: {  	[smem:$0x3FAA] =	sst s1  }
0xa: {  	[smem:$0x3FAB] =	sst s2  }
0xb: {  	[smem:$0x3FAC] =	sst s3  }
0xc: {  	[smem:$0x3FAD] =	sst s4  }
0xd: {  	[smem:$0x3FAE] =	sst s5  }
0xe: {  	[smem:$0x3FAF] =	sst s6  }
0xf: {  	[smem:$0x3FB0] =	sst s7  }
0x10: {  	[smem:$0x3FB1] =	sst s8  }
0x11: {  	[smem:$0x3FB2] =	sst s9;
	s0 =	simm.s32 @!p0 $0x0  }
0x12: {  	s1 =	sld [smem:$0x3F98];
	s0 =	simm.s32 @p0 $0x1  }
0x13: {  	[smem:$0x3FB3] =	sst s0;
	s0 =	simm.s32 @!p1 $0x0  }
0x14: {  	s2 =	sld [smem:$0x3F97];
	s0 =	simm.s32 @p1 $0x1  }
0x15: {  	[smem:$0x3FB4] =	sst s0;
	s0 =	simm.s32 @!p2 $0x0  }
0x16: {  	s3 =	sld [smem:$0x3FDB];
	s0 =	simm.s32 @p2 $0x1  }
0x17: {  	s4 =	simm.s32 $0x1BF5;
	[smem:$0x3FB6] =	sst s0  }
0x18: {  	s0 =	sld [smem:$0x3F99];
	_ =	swait.ge [sflag:s4], $0x0  }
0x19: {  	s7 =	sld [smem:$0x3F9A]  }
0x1a: {  	s8 =	sadd.s32 $0xFFFFE003, lr  }
0x1b: {  	s9 =	sadd.s32 $0xFFFFFEF7, lr;
	s5 =	simm.s32 $0xFFFFFFFF;
	p2 =	slt.u32 s8, $0xFFFFF086  }
0x1c: {  	p1 =	slt.u32 s9, $0xF7A;
	s5 =	simm.s32 @!p2 $0x0  }
0x1d: {  	s5 =	simm.s32 @p1 $0x1;
	p0 =	seq.s32 s7, s2  }
0x1e: {  	s7 =	smul.u32 @!p0 $0xF7A, s2;
	p2 =	seq.s32 @!p0 s5, $0x0  }
0x1f: {  	s9 =	smul.u32 $0xF7A, s1;
	s8 =	simm.s32 @!p0 $0x1BF5;
	p2 =	por !p2, p0  }
0x20: {  	[sflag:s8] =	ssyncset.s32 @!p0 $0xFFFFF086;
	s6 =	sadd.s32 @!p0 s3, s7;
	s7 =	simm.s32 @!p0 $0x108  }
0x21: {  	s3 =	sadd.s32 s3, s9;
	s6 =	sadd.s32 @!p0 $0x88, s6;
	s7 =	simm.s32 @p2 $0x1082  }
0x22: {  	[simem:s7], [sflag:s8] =	dma.local @!p0 [hbm:s6], $0xF7A  }
0x23: {  	s9 =	sor.u32 $0xD0000000, s2;
	s6 =	simm.s32 $0x108;
	_ =	swait.ge @!p0 [sflag:s8], $0x0  }
0x24: {  	s3 =	sadd.s32 $0x88, s3;
	s6 =	simm.s32 @!p1 $0x1082;
	[sflag:s4] =	ssyncset.s32 $0xFFFFF086  }
0x25: {  	[simem:s6], [sflag:s4] =	dma.local [hbm:s3], $0xF7A  }
0x26: {  	[smem:$0x3F9A] =	sst s1;
	(tag) =	ssettag s2;
	_ =	strace s9  }
0x27: {  	s1 =	sld [smem:$0x3FAA]  }
0x28: {  	s2 =	sld [smem:$0x3FAB]  }
0x29: {  	s4 =	sld [smem:$0x3FAD]  }
0x2a: {  	p0 =	seq.s32 s5, $0x0;
	s5 =	sld [smem:$0x3FAE]  }
0x2b: {  	s6 =	sld [smem:$0x3FAF]  }
0x2c: {  	s7 =	sld [smem:$0x3FB0]  }
0x2d: {  	s3 =	simm.s32 $0x108;
	s8 =	sld [smem:$0x3FB1]  }
0x2e: {  	s3 =	simm.s32 @!p0 $0x1082;
	s9 =	sld [smem:$0x3FB2]  }
0x2f: {  	lr =	sadd.s32 s0, s3;
	s0 =	sld [smem:$0x3FA9]  }
0x30: {  	s3 =	sld [smem:$0x3FAC]  }
0x31: {  	[smem:$0x3FB5] =	sst s10  }
0x32: {  	s10 =	sld [smem:$0x3FB3];
	_ =	sdelay $0x3  }
0x33: {  	p0 =	seq.s32 s10, $0x1;
	s10 =	sld [smem:$0x3FB5];
	_ =	sdelay $0x3  }
0x34: {  	[smem:$0x3FB5] =	sst s10  }
0x35: {  	s10 =	sld [smem:$0x3FB4];
	_ =	sdelay $0x3  }
0x36: {  	p1 =	seq.s32 s10, $0x1;
	s10 =	sld [smem:$0x3FB5];
	_ =	sdelay $0x3  }
0x37: {  	[smem:$0x3FB5] =	sst s10  }
0x38: {  	s10 =	sld [smem:$0x3FB6]  }
0x39: {  	_ = 	snop;
	(pc) =	sbr.ind lr, $3  }
0x3a: {  	_ = 	snop  }
0x3b: {  	_ = 	snop  }
0x3c: {  	p2 =	seq.s32 s10, $0x1;
	s10 =	sld [smem:$0x3FB5]  }
0x3d: {  	_ =	shalt  }
0x3e: {  	_ =	shalt  }
0x3f: {  	_ =	shalt  }
0x40: {  	_ =	shalt  }
0x41: {  	_ =	shalt  }
0x42: {  	_ =	shalt  }
0x43: {  	_ =	shalt  }
0x44: {  	_ =	shalt  }
0x45: {  	_ =	shalt  }
0x46: {  	_ =	shalt  }
0x47: {  	_ =	shalt  }
0x48: {  	_ =	shalt  }
0x49: {  	_ =	shalt  }
0x4a: {  	_ =	shalt  }
0x4b: {  	_ =	shalt  }
0x4c: {  	_ =	shalt  }
0x4d: {  	_ =	shalt  }
0x4e: {  	_ =	shalt  }
0x4f: {  	_ =	shalt  }
0x50: {  	_ =	shalt  }
0x51: {  	_ =	shalt  }
0x52: {  	_ =	shalt  }
0x53: {  	_ =	shalt  }
0x54: {  	_ =	shalt  }
0x55: {  	_ =	shalt  }
0x56: {  	_ =	shalt  }
0x57: {  	_ =	shalt  }
0x58: {  	_ =	shalt  }
0x59: {  	_ =	shalt  }
0x5a: {  	_ =	shalt  }
0x5b: {  	_ =	shalt  }
0x5c: {  	_ =	shalt  }
0x5d: {  	_ =	shalt  }
0x5e: {  	_ =	shalt  }
0x5f: {  	_ =	shalt  }
0x60: {  	_ =	shalt  }
0x61: {  	_ =	shalt  }
0x62: {  	_ =	shalt  }
0x63: {  	_ =	shalt  }
0x64: {  	_ =	shalt  }
0x65: {  	_ =	shalt  }
0x66: {  	_ =	shalt  }
0x67: {  	_ =	shalt  }
0x68: {  	_ =	shalt  }
0x69: {  	_ =	shalt  }
0x6a: {  	_ =	shalt  }
0x6b: {  	_ =	shalt  }
0x6c: {  	_ =	shalt  }
0x6d: {  	_ =	shalt  }
0x6e: {  	_ =	shalt  }
0x6f: {  	_ =	shalt  }
0x70: {  	_ =	shalt  }
0x71: {  	_ =	shalt  }
0x72: {  	_ =	shalt  }
0x73: {  	_ =	shalt  }
0x74: {  	_ =	shalt  }
0x75: {  	_ =	shalt  }
0x76: {  	_ =	shalt  }
0x77: {  	_ =	shalt  }
0x78: {  	_ =	shalt  }
0x79: {  	_ =	shalt  }
0x7a: {  	_ =	shalt  }
0x7b: {  	_ =	shalt  }
0x7c: {  	_ =	shalt  }
0x7d: {  	_ =	shalt  }
0x7e: {  	_ =	shalt  }
0x7f: {  	_ =	shalt  }
0x80: {  	_ =	shalt  }
0x81: {  	_ =	shalt  }
0x82: {  	_ =	shalt  }
0x83: {  	_ =	shalt  }
0x84: {  	_ =	shalt  }
0x85: {  	_ =	shalt  }
0x86: {  	_ =	shalt  }
0x87: {  	_ =	shalt  }
.Lfunc_end0:
.L_simem_size_0:
called_computation.1_lowered:
.L_overlay_start_0:
0x88: {  	s2 =	sld [smem:$0x3FD9]  }
0x89: {  	s3 =	sld [smem:$0x3FFE];
	_ =	sdelay $0x1  }
0x8a: {  	s1 =	srdreg.scid  }
0x8b: {  	s0 =	sand.u32 $0x1, s1  }
0x8c: {  	s14 =	sshll.u32 s0, $0xA;
	s2 =	sadd.s32 s3, s2  }
0x8d: {  	s2 =	sadd.s32 s2, s14  }
0x8e: {  	[smem:$0x3FC1] =	sst s2  }
0x8f: {  	_ = 	snop  }
0x90: {  	s2 =	sld [smem:$0x3FD0];
	_ =	sdelay $0x2  }
0x91: {  	s15 =	simm.s32 $0xA;
	s4 =	simm.s32 $0x10  }
0x92: {  	[smem:s4], [sflag:s15] =	dma.local [hbm:s2], $0x1  }
0x93: {  	_ =	swait.eq [sflag:s15], $0x1  }
0x94: {  	[sflag:s15] =	ssyncset.done $0x0  }
0x95: {  	[sflag:s15] =	ssyncadd.s32 $0xFFFFFFFF  }
0x96: {  	s16 =	sld [smem:$0x14];
	(tm) =	ssettm $0x1  }
0x97: {  	s17 =	sld [smem:$0x3FFB];
	_ =	sdelay $0x3  }
0x98: {  	_ =	strace s17  }
0x99: {  	s3 =	sld [smem:$0x3FFC];
	_ =	sdelay $0x3  }
0x9a: {  	_ =	strace s3  }
0x9b: {  	s3 =	sld [smem:$0x3FFD];
	_ =	sdelay $0x3  }
0x9c: {  	_ =	strace s3  }
0x9d: {  	_ =	strace $0x8FFFFFFF  }
0x9e: {  	s18 =	sld [smem:$0x3FDB];
	_ =	sdelay $0x1  }
0x9f: {  	s19 =	simm.s32 $_scs_section_size  }
0xa0: {  	s5 =	simm.s32 $_size__tile_overlayer_lowered;
	s6 =	simm.s32 $_tile_overlayer_lowered  }
0xa1: {  	s22 =	simm.s32 $0x1BFF;
	s21 =	sshll.u32 s6, $0x1;
	s3 =	sadd.s32 s19, s18  }
0xa2: {  	s7 =	simm.s32 $0x0;
	s20 =	sshll.u32 s5, $0x1;
	s5 =	sadd.s32 s21, s3  }
0xa3: {  	[timem:s7], [sflag:s22] =	dma.local [hbm:s5], s20  }
0xa4: {  	_ =	swait.ge [sflag:s22], s20  }
0xa5: {  	s4 =	ssub.s32 $0x0, s20;
	[sflag:s22] =	ssyncset.done $0x0  }
0xa6: {  	[sflag:s22] =	ssyncadd.s32 s4;
	_ =	sdelay $0x1  }
0xa7: {  	s23 =	simm.s32 $0x1B8B  }
0xa8: {  	_ =	swait.ge [sflag:s23], $0x1  }
0xa9: {  	[sflag:s23] =	ssyncset.done $0x0  }
0xaa: {  	s25 =	simm.s32 $0x1B8E;
	s24 =	sld [smem:$0x3FFE];
	[sflag:s23] =	ssyncadd.s32 $0xFFFFFFFF  }
0xab: {  	s26 =	simm.s32 $execute0_lowered;
	[smem:$0x3FD2] =	sst s25  }
0xac: {  	s5 =	sshll.u32 s26, $0x1;
	_ =	strace $0x80000049;
	[dreg:$0x1] =	wrdreg $0xFFFFFFFF  }
0xad: {  	s28 =	simm.s32 $_size_execute0_lowered;
	s3 =	sadd.s32 s3, s5;
	[dreg:$0x0] =	wrdreg $0x0  }
0xae: {  	s5 =	sshll.u32 s28, $0x1;
	[dreg:$0x2] =	wrdreg s3  }
0xaf: {  	[dreg:$0x3] =	wrdreg s5  }
0xb0: {  	[dreg:$0x4] =	wrdreg $0xC0  }
0xb1: {  	_ =	task [dreg:s7], $0x5FFFF  }
0xb2: {  	[dreg:$0x1] =	wrdreg $0xFFFFFFFF  }
0xb3: {  	[dreg:$0x0] =	wrdreg $0x60  }
0xb4: {  	[dreg:$0x2] =	wrdreg s24  }
0xb5: {  	[dreg:$0x3] =	wrdreg s16  }
0xb6: {  	[dreg:$0x4] =	wrdreg $0x9  }
0xb7: {  	_ =	task.clear_ibuf [dreg:s7], $0x5FFFF;
	_ =	strace $0x90000049  }
0xb8: {  	s29 =	simm.s32 $0x9;
	_ =	strace $0x8000004B  }
0xb9: {  	_ =	swait.ge [sflag:s29], $0x1  }
0xba: {  	[sflag:s29] =	ssyncadd.s32 $0xFFFFFFFF  }
0xbb: {  	_ =	strace $0x9000004B  }
0xbc: {  	_ =	sfence  }
0xbd: {  	s30 =	sld [smem:$0x0];
	_ =	sdelay $0x2  }
0xbe: {  	s31 =	sshll.u32 s1, $0xD;
	s1 =	sshrl.u32 s1, $0x2  }
0xbf: {  	s3 =	sand.u32 $0x4000, s31;
	s1 =	sadd.s32 s1, s30  }
0xc0: {  	s0 =	sor.u32 s3, s0;
	s1 =	sshll.u32 s1, $0x11  }
0xc1: {  	s0 =	sor.u32 s1, s0  }
0xc2: {  	s0 =	sadd.s32 $0x8F2B, s0  }
0xc3: {  	[sflag:s0] =	ssyncadd.remote.s32 $0x1  }
0xc4: {  	_ =	sfence.sel $0xFFFF  }
0xc5: {  	[dreg:$0x0] =	wrdreg $0xFFFFFFFF;
	(pc) =	sbr.abs _section_cstart, $3  }
0xc6: {  	[dreg:$0x1] =	wrdreg $0xFFFFFFFF  }
0xc7: {  	_ =	task.clear_ibuf [dreg:s7], $0x2FFFF;
	_ =	strace $0x9FFFFFFF  }
0xc8: {  	(tm) =	ssettm $0x7FFFFFFF  }
0xc9: {  	_ =	shalt  }
tec
execute0_lowered:
.L_overlay_start_1:
0x0: {  	(tag) =	ssettag $0x1  }
0x1: {  	s7 =	rddreg [dreg:$0x0]  }
0x2: {  	s3 =	rddreg [dreg:$0x1];
	s2 =	srdreg.scid  }
0x3: {  	s0 =	rddreg [dreg:$0x2];
	s1 =	stileid.u32;
	s8 =	sand.u32 $0x1, s2  }
0x4: {  	s2 =	simm.s32 $0x0;
	s4 =	sshll.u32 s1, $0x4;
	s5 =	sshll.u32 s8, $0x3  }
0x5: {  	[smem:$0x7FF] =	sst s2;
	s9 =	sor.u32 s5, s4  }
0x6: {  	_ =	strace $0x8000004A;
	s4 =	sadd.s32 s3, s9;
	s3 =	simm.s32 $0x1  }
0x7: {  	[tilespmem:s2], [sflag:$0x1] =	stream.linear.gather [hbm4b:s4+s2], $0x40, $0x38;
	[tilespmem:$0x1980] =	vst v63  }
0x8: {  	_ =	swait.ge [sflag:s3], $0x40  }
0x9: {  	[sflag:s3] =	ssyncset.done $0x0  }
0xa: {  	s6 =	simm.s32 $0x80;
	s5 =	sadd.s32 $0x1E00, s7;
	[sflag:s3] =	ssyncadd.s32 $0xFFFFFFC0  }
0xb: {  	[tilespmem:s6], [sflag:$0x1] =	stream.linear.gather [hbm4b:s5+s2], $0x1800, $0x38;
	[tilespmem:$0x1980] =	vst v63  }
0xc: {  	_ =	swait.ge [sflag:s3], $0x1800  }
0xd: {  	[sflag:s3] =	ssyncset.done $0x0  }
0xe: {  	[sflag:s3] =	ssyncadd.s32 $0xFFFFE800  }
0xf: {  	v0 =	vld [tilespmem:$0x0];
	_ =	sdelay $0x7  }
0x10: {  	v1 =	vld.idx.msk [tilespmem:v0+s6+$0x0], $0xffff  }
0x11: {  	v0 =	vadd.s32 $0xC00, v0;
	_ =	sdelay $0x2  }
0x12: {  	v2 =	vld [tilespmem:$0x10]  }
0x13: {  	[tilespmem:$0x1880] =	vst v1  }
0x14: {  	v0 =	vld.idx.msk [tilespmem:v0+s6+$0x0], $0xffff;
	_ =	sdelay $0x4  }
0x15: {  	[tilespmem:$0x1900] =	vst v0  }
0x16: {  	v0 =	vld.idx.msk [tilespmem:v2+s6+$0x0], $0xffff  }
0x17: {  	v59 =	vadd.s32 $0xC00, v2;
	_ =	sdelay $0x2  }
0x18: {  	v60 =	vld [tilespmem:$0x20]  }
0x19: {  	[tilespmem:$0x1890] =	vst v0  }
0x1a: {  	v0 =	vld.idx.msk [tilespmem:v59+s6+$0x0], $0xffff;
	_ =	sdelay $0x4  }
0x1b: {  	[tilespmem:$0x1910] =	vst v0  }
0x1c: {  	v0 =	vld.idx.msk [tilespmem:v60+s6+$0x0], $0xffff  }
0x1d: {  	v61 =	vadd.s32 $0xC00, v60;
	_ =	sdelay $0x2  }
0x1e: {  	v62 =	vld [tilespmem:$0x30]  }
0x1f: {  	[tilespmem:$0x18A0] =	vst v0  }
0x20: {  	v0 =	vld.idx.msk [tilespmem:v61+s6+$0x0], $0xffff;
	_ =	sdelay $0x4  }
0x21: {  	[tilespmem:$0x1920] =	vst v0  }
0x22: {  	v0 =	vld.idx.msk [tilespmem:v62+s6+$0x0], $0xffff  }
0x23: {  	v63 =	vadd.s32 $0xC00, v62;
	_ =	sdelay $0x3  }
0x24: {  	[tilespmem:$0x18B0] =	vst v0  }
0x25: {  	v0 =	vld.idx.msk [tilespmem:v63+s6+$0x0], $0xffff;
	_ =	sdelay $0x1  }
0x26: {  	s10 =	ssub.s32 $0x2, s8  }
0x27: {  	s11 =	sshrl.u32 s10, $0x1  }
0x28: {  	s9 =	sadd.s32 s9, s7;
	s10 =	ssub.s32 s10, s11  }
0x29: {  	s8 =	simm.s32 $0x1880;
	s7 =	sadd.s32 $0x2200, s9;
	s11 =	smax.u32 s10, $0x1;
	[tilespmem:$0x1930] =	vst v0  }
0x2a: {  	[hbm4b:s7+s2] =	stream.linear.scatter [tilespmem:s8], [sflag:$0x1], $0x40, $0x38;
	[tilespmem:$0x1980] =	vst v63  }
0x2b: {  	p0 =	sne.s32 s11, $0x1;
	_ =	swait.ge [sflag:s3], $0x40  }
.Ltmp0:
0x2c: {  	[sflag:s3] =	ssyncset.done $0x0;
	(pc) =	sbr.rel @!p0 .LBB2_2-.Ltmp0, $4  }
0x2d: {  	s9 =	sadd.s32 $0x2300, s9;
	s10 =	simm.s32 $0x1900;
	[sflag:s3] =	ssyncadd.s32 $0xFFFFFFC0  }
0x2e: {  	[hbm4b:s9+s2] =	stream.linear.scatter [tilespmem:s10], [sflag:$0x1], $0x40, $0x38;
	[tilespmem:$0x1980] =	vst v63  }
0x2f: {  	_ =	swait.ge [sflag:s3], $0x40  }
0x30: {  	s11 =	sadd.s32 $0xFFFFFFFF, s11;
	[sflag:s3] =	ssyncset.done $0x0  }
.LBB2_1:
0x31: {  	p0 =	sne.s32 s11, $0x1;
	s11 =	sadd.s32 $0xFFFFFFFF, s11;
	[sflag:s3] =	ssyncadd.s32 $0xFFFFFFC0  }
0x32: {  	[tilespmem:s2], [sflag:$0x1] =	stream.linear.gather [hbm4b:s4+s2], $0x40, $0x38;
	[tilespmem:$0x1980] =	vst v63  }
0x33: {  	_ =	swait.ge [sflag:s3], $0x40  }
0x34: {  	[sflag:s3] =	ssyncset.done $0x0  }
0x35: {  	[sflag:s3] =	ssyncadd.s32 $0xFFFFFFC0  }
0x36: {  	[tilespmem:s6], [sflag:$0x1] =	stream.linear.gather [hbm4b:s5+s2], $0x1800, $0x38;
	[tilespmem:$0x1980] =	vst v63  }
0x37: {  	_ =	swait.ge [sflag:s3], $0x1800  }
0x38: {  	[sflag:s3] =	ssyncset.done $0x0  }
0x39: {  	[sflag:s3] =	ssyncadd.s32 $0xFFFFE800  }
0x3a: {  	v0 =	vld [tilespmem:$0x0];
	_ =	sdelay $0x7  }
0x3b: {  	v1 =	vld.idx.msk [tilespmem:v0+s6+$0x0], $0xffff;
	_ =	sdelay $0x1  }
0x3c: {  	v0 =	vadd.s32 $0xC00, v0;
	_ =	sdelay $0x3  }
0x3d: {  	[tilespmem:$0x1880] =	vst v1;
	v1 =	vld [tilespmem:$0x10]  }
0x3e: {  	v0 =	vld.idx.msk [tilespmem:v0+s6+$0x0], $0xffff;
	_ =	sdelay $0x5  }
0x3f: {  	[tilespmem:$0x1900] =	vst v0  }
0x40: {  	v0 =	vld.idx.msk [tilespmem:v1+s6+$0x0], $0xffff;
	_ =	sdelay $0x1  }
0x41: {  	v1 =	vadd.s32 $0xC00, v1;
	_ =	sdelay $0x3  }
0x42: {  	[tilespmem:$0x1890] =	vst v0;
	v0 =	vld [tilespmem:$0x20]  }
0x43: {  	v1 =	vld.idx.msk [tilespmem:v1+s6+$0x0], $0xffff;
	_ =	sdelay $0x5  }
0x44: {  	[tilespmem:$0x1910] =	vst v1  }
0x45: {  	v1 =	vld.idx.msk [tilespmem:v0+s6+$0x0], $0xffff;
	_ =	sdelay $0x1  }
0x46: {  	v0 =	vadd.s32 $0xC00, v0;
	_ =	sdelay $0x3  }
0x47: {  	[tilespmem:$0x18A0] =	vst v1;
	v1 =	vld [tilespmem:$0x30]  }
0x48: {  	v0 =	vld.idx.msk [tilespmem:v0+s6+$0x0], $0xffff;
	_ =	sdelay $0x5  }
0x49: {  	[tilespmem:$0x1920] =	vst v0  }
0x4a: {  	v0 =	vld.idx.msk [tilespmem:v1+s6+$0x0], $0xffff;
	_ =	sdelay $0x1  }
0x4b: {  	v1 =	vadd.s32 $0xC00, v1;
	_ =	sdelay $0x3  }
0x4c: {  	[tilespmem:$0x18B0] =	vst v0  }
0x4d: {  	v0 =	vld.idx.msk [tilespmem:v1+s6+$0x0], $0xffff;
	_ =	sdelay $0x5  }
0x4e: {  	[tilespmem:$0x1930] =	vst v0  }
0x4f: {  	[hbm4b:s7+s2] =	stream.linear.scatter [tilespmem:s8], [sflag:$0x1], $0x40, $0x38;
	[tilespmem:$0x1980] =	vst v63  }
0x50: {  	_ =	swait.ge [sflag:s3], $0x40  }
.Ltmp1:
0x51: {  	[sflag:s3] =	ssyncset.done $0x0;
	(pc) =	sbr.rel @p0 .LBB2_1-.Ltmp1, $4  }
0x52: {  	[sflag:s3] =	ssyncadd.s32 $0xFFFFFFC0  }
0x53: {  	[hbm4b:s9+s2] =	stream.linear.scatter [tilespmem:s10], [sflag:$0x1], $0x40, $0x38;
	[tilespmem:$0x1980] =	vst v63  }
0x54: {  	_ =	swait.ge [sflag:s3], $0x40  }
0x55: {  	[sflag:s3] =	ssyncset.done $0x0  }
.LBB2_2:
0x56: {  	[sflag:s3] =	ssyncadd.s32 $0xFFFFFFC0  }
0x57: {  	_ =	sfence.sel $0x180000  }
0x58: {  	[bflag:$0x0] =	sbarrier.arrive $0xFFFF  }
0x59: {  	p0 =	sne.s32 s1, $0x0;
	_ =	strace $0x9000004A  }
0x5a: {  	s0 =	sadd.s32 @!p0 $0x100000, s0;
	[bflag:$0x2] =	sbarrier.arrive $0xFFFF  }
0x5b: {  	[sflag:s0] =	ssyncadd.tile.s32 @!p0 $0x1;
	_ =	shalt  }
.Lfunc_end2:
_tile_overlayer_lowered:
.L_overlay_start_2:
0x5c: {  	(tag) =	ssettag $0x2  }
0x5d: {  	s0 =	rddreg [dreg:$0x0];
	s2 =	stileid.u32  }
0x5e: {  	s1 =	rddreg [dreg:$0x1];
	p0 =	sne.s32 s2, $0x0  }
0x5f: {  	s3 =	rddreg [dreg:$0x2];
	[bflag:$0x3] =	sbarrier.arrive $0xFFFF;
	s2 =	simm.s32 @!p0 $0x1C01  }
0x60: {  	[timem:s3], [sflag:s2] =	dma.local @!p0 [hbm:s0], s1  }
0x61: {  	s0 =	simm.s32 @!p0 $0x1  }
0x62: {  	_ =	swait.ge @!p0 [sflag:s0], s1  }
0x63: {  	s1 =	ssub.s32 @!p0 $0x0, s1;
	[sflag:s0] =	ssyncset.done @!p0 $0x0  }
0x64: {  	[sflag:s0] =	ssyncadd.s32 @!p0 s1  }
0x65: {  	[bflag:$0x3] =	sbarrier.arrive $0xFFFF  }
0x66: {  	_ =	shalt  }

// kernel: kernel.7.cloned.1.call-start
scs
__scs_entry_jumppad:
0x0: {  	(pc) =	sbr.rel $0x88, $3  }
0x1: {  	(tag) =	ssettag $0x0;
	lr =	simm.s32 $0x1  }
0x2: {  	[smem:$0x3F9A] =	sst lr;
	_ =	strace $0xD0000000  }
0x3: {  	_ = 	snop  }
0x4: {  	_ = 	snop  }
0x5: {  	_ = 	snop  }
0x6: {  	_ = 	snop  }
0x7: {  	_ = 	snop  }
__scs_overlays_trampoline_lowered:
0x8: {  	[smem:$0x3FA9] =	sst s0  }
0x9: {  	[smem:$0x3FAA] =	sst s1  }
0xa: {  	[smem:$0x3FAB] =	sst s2  }
0xb: {  	[smem:$0x3FAC] =	sst s3  }
0xc: {  	[smem:$0x3FAD] =	sst s4  }
0xd: {  	[smem:$0x3FAE] =	sst s5  }
0xe: {  	[smem:$0x3FAF] =	sst s6  }
0xf: {  	[smem:$0x3FB0] =	sst s7  }
0x10: {  	[smem:$0x3FB1] =	sst s8  }
0x11: {  	[smem:$0x3FB2] =	sst s9;
	s0 =	simm.s32 @!p0 $0x0  }
0x12: {  	s1 =	sld [smem:$0x3F98];
	s0 =	simm.s32 @p0 $0x1  }
0x13: {  	[smem:$0x3FB3] =	sst s0;
	s0 =	simm.s32 @!p1 $0x0  }
0x14: {  	s2 =	sld [smem:$0x3F97];
	s0 =	simm.s32 @p1 $0x1  }
0x15: {  	[smem:$0x3FB4] =	sst s0;
	s0 =	simm.s32 @!p2 $0x0  }
0x16: {  	s3 =	sld [smem:$0x3FDB];
	s0 =	simm.s32 @p2 $0x1  }
0x17: {  	s4 =	simm.s32 $0x1BF5;
	[smem:$0x3FB6] =	sst s0  }
0x18: {  	s0 =	sld [smem:$0x3F99];
	_ =	swait.ge [sflag:s4], $0x0  }
0x19: {  	s7 =	sld [smem:$0x3F9A]  }
0x1a: {  	s8 =	sadd.s32 $0xFFFFE003, lr  }
0x1b: {  	s9 =	sadd.s32 $0xFFFFFEF7, lr;
	s5 =	simm.s32 $0xFFFFFFFF;
	p2 =	slt.u32 s8, $0xFFFFF086  }
0x1c: {  	p1 =	slt.u32 s9, $0xF7A;
	s5 =	simm.s32 @!p2 $0x0  }
0x1d: {  	s5 =	simm.s32 @p1 $0x1;
	p0 =	seq.s32 s7, s2  }
0x1e: {  	s7 =	smul.u32 @!p0 $0xF7A, s2;
	p2 =	seq.s32 @!p0 s5, $0x0  }
0x1f: {  	s9 =	smul.u32 $0xF7A, s1;
	s8 =	simm.s32 @!p0 $0x1BF5;
	p2 =	por !p2, p0  }
0x20: {  	[sflag:s8] =	ssyncset.s32 @!p0 $0xFFFFF086;
	s6 =	sadd.s32 @!p0 s3, s7;
	s7 =	simm.s32 @!p0 $0x108  }
0x21: {  	s3 =	sadd.s32 s3, s9;
	s6 =	sadd.s32 @!p0 $0x88, s6;
	s7 =	simm.s32 @p2 $0x1082  }
0x22: {  	[simem:s7], [sflag:s8] =	dma.local @!p0 [hbm:s6], $0xF7A  }
0x23: {  	s9 =	sor.u32 $0xD0000000, s2;
	s6 =	simm.s32 $0x108;
	_ =	swait.ge @!p0 [sflag:s8], $0x0  }
0x24: {  	s3 =	sadd.s32 $0x88, s3;
	s6 =	simm.s32 @!p1 $0x1082;
	[sflag:s4] =	ssyncset.s32 $0xFFFFF086  }
0x25: {  	[simem:s6], [sflag:s4] =	dma.local [hbm:s3], $0xF7A  }
0x26: {  	[smem:$0x3F9A] =	sst s1;
	(tag) =	ssettag s2;
	_ =	strace s9  }
0x27: {  	s1 =	sld [smem:$0x3FAA]  }
0x28: {  	s2 =	sld [smem:$0x3FAB]  }
0x29: {  	s4 =	sld [smem:$0x3FAD]  }
0x2a: {  	p0 =	seq.s32 s5, $0x0;
	s5 =	sld [smem:$0x3FAE]  }
0x2b: {  	s6 =	sld [smem:$0x3FAF]  }
0x2c: {  	s7 =	sld [smem:$0x3FB0]  }
0x2d: {  	s3 =	simm.s32 $0x108;
	s8 =	sld [smem:$0x3FB1]  }
0x2e: {  	s3 =	simm.s32 @!p0 $0x1082;
	s9 =	sld [smem:$0x3FB2]  }
0x2f: {  	lr =	sadd.s32 s0, s3;
	s0 =	sld [smem:$0x3FA9]  }
0x30: {  	s3 =	sld [smem:$0x3FAC]  }
0x31: {  	[smem:$0x3FB5] =	sst s10  }
0x32: {  	s10 =	sld [smem:$0x3FB3];
	_ =	sdelay $0x3  }
0x33: {  	p0 =	seq.s32 s10, $0x1;
	s10 =	sld [smem:$0x3FB5];
	_ =	sdelay $0x3  }
0x34: {  	[smem:$0x3FB5] =	sst s10  }
0x35: {  	s10 =	sld [smem:$0x3FB4];
	_ =	sdelay $0x3  }
0x36: {  	p1 =	seq.s32 s10, $0x1;
	s10 =	sld [smem:$0x3FB5];
	_ =	sdelay $0x3  }
0x37: {  	[smem:$0x3FB5] =	sst s10  }
0x38: {  	s10 =	sld [smem:$0x3FB6]  }
0x39: {  	_ = 	snop;
	(pc) =	sbr.ind lr, $3  }
0x3a: {  	_ = 	snop  }
0x3b: {  	_ = 	snop  }
0x3c: {  	p2 =	seq.s32 s10, $0x1;
	s10 =	sld [smem:$0x3FB5]  }
0x3d: {  	_ =	shalt  }
0x3e: {  	_ =	shalt  }
0x3f: {  	_ =	shalt  }
0x40: {  	_ =	shalt  }
0x41: {  	_ =	shalt  }
0x42: {  	_ =	shalt  }
0x43: {  	_ =	shalt  }
0x44: {  	_ =	shalt  }
0x45: {  	_ =	shalt  }
0x46: {  	_ =	shalt  }
0x47: {  	_ =	shalt  }
0x48: {  	_ =	shalt  }
0x49: {  	_ =	shalt  }
0x4a: {  	_ =	shalt  }
0x4b: {  	_ =	shalt  }
0x4c: {  	_ =	shalt  }
0x4d: {  	_ =	shalt  }
0x4e: {  	_ =	shalt  }
0x4f: {  	_ =	shalt  }
0x50: {  	_ =	shalt  }
0x51: {  	_ =	shalt  }
0x52: {  	_ =	shalt  }
0x53: {  	_ =	shalt  }
0x54: {  	_ =	shalt  }
0x55: {  	_ =	shalt  }
0x56: {  	_ =	shalt  }
0x57: {  	_ =	shalt  }
0x58: {  	_ =	shalt  }
0x59: {  	_ =	shalt  }
0x5a: {  	_ =	shalt  }
0x5b: {  	_ =	shalt  }
0x5c: {  	_ =	shalt  }
0x5d: {  	_ =	shalt  }
0x5e: {  	_ =	shalt  }
0x5f: {  	_ =	shalt  }
0x60: {  	_ =	shalt  }
0x61: {  	_ =	shalt  }
0x62: {  	_ =	shalt  }
0x63: {  	_ =	shalt  }
0x64: {  	_ =	shalt  }
0x65: {  	_ =	shalt  }
0x66: {  	_ =	shalt  }
0x67: {  	_ =	shalt  }
0x68: {  	_ =	shalt  }
0x69: {  	_ =	shalt  }
0x6a: {  	_ =	shalt  }
0x6b: {  	_ =	shalt  }
0x6c: {  	_ =	shalt  }
0x6d: {  	_ =	shalt  }
0x6e: {  	_ =	shalt  }
0x6f: {  	_ =	shalt  }
0x70: {  	_ =	shalt  }
0x71: {  	_ =	shalt  }
0x72: {  	_ =	shalt  }
0x73: {  	_ =	shalt  }
0x74: {  	_ =	shalt  }
0x75: {  	_ =	shalt  }
0x76: {  	_ =	shalt  }
0x77: {  	_ =	shalt  }
0x78: {  	_ =	shalt  }
0x79: {  	_ =	shalt  }
0x7a: {  	_ =	shalt  }
0x7b: {  	_ =	shalt  }
0x7c: {  	_ =	shalt  }
0x7d: {  	_ =	shalt  }
0x7e: {  	_ =	shalt  }
0x7f: {  	_ =	shalt  }
0x80: {  	_ =	shalt  }
0x81: {  	_ =	shalt  }
0x82: {  	_ =	shalt  }
0x83: {  	_ =	shalt  }
0x84: {  	_ =	shalt  }
0x85: {  	_ =	shalt  }
0x86: {  	_ =	shalt  }
0x87: {  	_ =	shalt  }
.Lfunc_end0:
.L_simem_size_0:
called_computation_lowered:
.L_overlay_start_0:
0x88: {  	s2 =	sld [smem:$0x3FD9]  }
0x89: {  	s3 =	sld [smem:$0x3FFE];
	_ =	sdelay $0x1  }
0x8a: {  	s1 =	srdreg.scid  }
0x8b: {  	s0 =	sand.u32 $0x1, s1  }
0x8c: {  	s14 =	sshll.u32 s0, $0xA;
	s2 =	sadd.s32 s3, s2  }
0x8d: {  	s2 =	sadd.s32 s2, s14  }
0x8e: {  	[smem:$0x3FC1] =	sst s2  }
0x8f: {  	_ = 	snop  }
0x90: {  	s2 =	sld [smem:$0x3FD0];
	_ =	sdelay $0x2  }
0x91: {  	s4 =	simm.s32 $0xA;
	s5 =	simm.s32 $0x10;
	s15 =	sld [smem:$0x3FC9]  }
0x92: {  	[smem:s5], [sflag:s4] =	dma.local [hbm:s2], $0x1  }
0x93: {  	_ =	swait.eq [sflag:s4], $0x1  }
0x94: {  	[sflag:s4] =	ssyncset.done $0x0  }
0x95: {  	[sflag:s4] =	ssyncadd.s32 $0xFFFFFFFF  }
0x96: {  	s16 =	sld [smem:$0x14];
	(tm) =	ssettm $0x1  }
0x97: {  	s17 =	sld [smem:$0x3FFB];
	_ =	sdelay $0x3  }
0x98: {  	_ =	strace s17  }
0x99: {  	s4 =	sld [smem:$0x3FFC];
	_ =	sdelay $0x3  }
0x9a: {  	_ =	strace s4  }
0x9b: {  	s4 =	sld [smem:$0x3FFD];
	_ =	sdelay $0x3  }
0x9c: {  	_ =	strace s4  }
0x9d: {  	_ =	strace $0x8FFFFFFF  }
0x9e: {  	s18 =	sld [smem:$0x3FDB];
	_ =	sdelay $0x1  }
0x9f: {  	s19 =	simm.s32 $_scs_section_size  }
0xa0: {  	s6 =	simm.s32 $_size__tile_overlayer_lowered;
	s7 =	simm.s32 $_tile_overlayer_lowered  }
0xa1: {  	s22 =	simm.s32 $0x1BFF;
	s21 =	sshll.u32 s7, $0x1;
	s4 =	sadd.s32 s19, s18  }
0xa2: {  	s8 =	simm.s32 $0x0;
	s20 =	sshll.u32 s6, $0x1;
	s6 =	sadd.s32 s21, s4  }
0xa3: {  	[timem:s8], [sflag:s22] =	dma.local [hbm:s6], s20  }
0xa4: {  	_ =	swait.ge [sflag:s22], s20  }
0xa5: {  	s5 =	ssub.s32 $0x0, s20;
	[sflag:s22] =	ssyncset.done $0x0  }
0xa6: {  	[sflag:s22] =	ssyncadd.s32 s5;
	_ =	sdelay $0x1  }
0xa7: {  	s23 =	simm.s32 $0x1B8B  }
0xa8: {  	_ =	swait.ge [sflag:s23], $0x1  }
0xa9: {  	[sflag:s23] =	ssyncset.done $0x0  }
0xaa: {  	s25 =	simm.s32 $0x1B8E;
	s24 =	sld [smem:$0x3FFE];
	[sflag:s23] =	ssyncadd.s32 $0xFFFFFFFF  }
0xab: {  	s26 =	simm.s32 $execute0_lowered;
	[smem:$0x3FD2] =	sst s25  }
0xac: {  	s6 =	sshll.u32 s26, $0x1;
	_ =	strace $0x80000046;
	[dreg:$0x1] =	wrdreg $0xFFFFFFFF  }
0xad: {  	s28 =	simm.s32 $_size_execute0_lowered;
	s4 =	sadd.s32 s4, s6;
	[dreg:$0x0] =	wrdreg $0x0  }
0xae: {  	s6 =	sshll.u32 s28, $0x1;
	[dreg:$0x2] =	wrdreg s4  }
0xaf: {  	[dreg:$0x3] =	wrdreg s6  }
0xb0: {  	[dreg:$0x4] =	wrdreg $0xC0  }
0xb1: {  	_ =	task [dreg:s8], $0x5FFFF  }
0xb2: {  	[dreg:$0x1] =	wrdreg $0xFFFFFFFF  }
0xb3: {  	[dreg:$0x0] =	wrdreg $0x60  }
0xb4: {  	[dreg:$0x2] =	wrdreg s15  }
0xb5: {  	[dreg:$0x3] =	wrdreg s16  }
0xb6: {  	[dreg:$0x4] =	wrdreg s24  }
0xb7: {  	[dreg:$0x5] =	wrdreg $0x9  }
0xb8: {  	_ =	task.clear_ibuf [dreg:s8], $0x6FFFF;
	_ =	strace $0x90000046  }
0xb9: {  	s29 =	simm.s32 $0x9;
	_ =	strace $0x80000048  }
0xba: {  	_ =	swait.ge [sflag:s29], $0x1  }
0xbb: {  	[sflag:s29] =	ssyncadd.s32 $0xFFFFFFFF  }
0xbc: {  	_ =	strace $0x90000048  }
0xbd: {  	_ =	sfence  }
0xbe: {  	s30 =	sld [smem:$0x0];
	_ =	sdelay $0x2  }
0xbf: {  	s31 =	sshll.u32 s1, $0xD;
	s1 =	sshrl.u32 s1, $0x2  }
0xc0: {  	s3 =	sand.u32 $0x4000, s31;
	s1 =	sadd.s32 s1, s30  }
0xc1: {  	s0 =	sor.u32 s3, s0;
	s1 =	sshll.u32 s1, $0x11  }
0xc2: {  	s0 =	sor.u32 s1, s0  }
0xc3: {  	s0 =	sadd.s32 $0x8F2B, s0  }
0xc4: {  	[sflag:s0] =	ssyncadd.remote.s32 $0x1  }
0xc5: {  	_ =	sfence.sel $0xFFFF  }
0xc6: {  	[dreg:$0x0] =	wrdreg $0xFFFFFFFF;
	(pc) =	sbr.abs _section_cstart, $3  }
0xc7: {  	[dreg:$0x1] =	wrdreg $0xFFFFFFFF  }
0xc8: {  	_ =	task.clear_ibuf [dreg:s8], $0x2FFFF;
	_ =	strace $0x9FFFFFFF  }
0xc9: {  	(tm) =	ssettm $0x7FFFFFFF  }
tec
execute0_lowered:
.L_overlay_start_1:
0x0: {  	(tag) =	ssettag $0x1  }
0x1: {  	s1 =	rddreg [dreg:$0x0]  }
0x2: {  	s2 =	srdreg.scid;
	s3 =	rddreg [dreg:$0x1]  }
0x3: {  	s0 =	stileid.u32;
	s6 =	rddreg [dreg:$0x2];
	s15 =	simm.s32 $0x880  }
0x4: {  	s16 =	simm.s32 $0x1080;
	s17 =	simm.s32 $0x1880;
	s19 =	simm.s32 $0x2080  }
0x5: {  	s21 =	simm.s32 $0x2880;
	s4 =	sand.u32 $0x1, s2;
	s2 =	simm.s32 $0x0  }
0x6: {  	s22 =	simm.s32 $0x3080;
	s23 =	simm.s32 $0x3880;
	[smem:$0x7FF] =	sst s2  }
0x7: {  	s24 =	simm.s32 $0x4080;
	_ =	strace $0x80000047;
	[dreg:$0x6] =	wrdreg s15  }
0x8: {  	s25 =	simm.s32 $0x4880;
	s8 =	simm.s32 $0x2;
	[dreg:$0x7] =	wrdreg s16  }
0x9: {  	s26 =	simm.s32 $0x5080;
	s9 =	simm.s32 $0x80;
	[dreg:$0x8] =	wrdreg s17  }
0xa: {  	s11 =	simm.s32 $0x6080;
	s12 =	simm.s32 $0x6880;
	[dreg:$0x9] =	wrdreg s19  }
0xb: {  	s13 =	simm.s32 $0x7080;
	s14 =	simm.s32 $0x7880;
	[dreg:$0xa] =	wrdreg s21  }
0xc: {  	s28 =	simm.s32 $0xE080;
	s29 =	simm.s32 $0xE880;
	[dreg:$0xb] =	wrdreg s22  }
0xd: {  	s30 =	simm.s32 $0xF080;
	s31 =	simm.s32 $0xF880;
	[dreg:$0xc] =	wrdreg s23  }
0xe: {  	s5 =	sshll.u32 s0, $0x7;
	s7 =	sshll.u32 s4, $0x6;
	[dreg:$0xd] =	wrdreg s24  }
0xf: {  	s4 =	ssub.s32 $0x2, s4;
	s5 =	sor.u32 s7, s5;
	[dreg:$0xe] =	wrdreg s25  }
0x10: {  	s18 =	sshrl.u32 s4, $0x1;
	[dreg:$0xf] =	wrdreg s26;
	s15 =	simm.s32 $0x8080  }
0x11: {  	s16 =	simm.s32 $0x8880;
	s17 =	simm.s32 $0x9080;
	s19 =	simm.s32 $0xA080  }
0x12: {  	s21 =	simm.s32 $0xB080;
	s22 =	simm.s32 $0xB880;
	s23 =	simm.s32 $0xC080  }
0x13: {  	s24 =	simm.s32 $0xC880;
	s25 =	simm.s32 $0xD080;
	s26 =	simm.s32 $0xD880  }
0x14: {  	s7 =	sshrl.u32 s5, $0x3;
	s5 =	sshll.u32 s5, $0x7;
	s20 =	ssub.s32 s4, s18  }
0x15: {  	s4 =	sadd.s32 $0x1F00, s6;
	s18 =	simm.s32 $0x9880;
	s3 =	sadd.s32 s3, s7  }
0x16: {  	v2 =	vlaneseq.u32;
	s1 =	sadd.s32 s1, s5;
	s5 =	sadd.s32 $0x2000, s6;
	[dreg:$0x4] =	wrdreg s3  }
0x17: {  	vm0 =	vmmov $0xffff;
	v1 =	vshrl.u32 v2, $0x3;
	s7 =	smax.u32 s20, $0x1;
	s20 =	simm.s32 $0xA880;
	[dreg:$0x5] =	wrdreg s1  }
0x18: {  	v0 =	vand.u32 $0x7, v2;
	v2 =	vor.u32 $0x8, v2;
	v1 =	vmul.u32 $0x8, v1;
	s3 =	sadd.s32 $0x1E00, s6;
	s6 =	sadd.s32 $0x2100, s6;
	s1 =	simm.s32 $0x1  }
.LBB2_1:
0x19: {  	s0 =	rddreg [dreg:$0x4]  }
0x1a: {  	[tilespmem:s2], [sflag:$0x2] =	stream.linear.gather [hbm4b:s0+s2], $0x40, $0x38;
	[tilespmem:$0x10080] =	vst v63  }
0x1b: {  	_ =	swait.ge [sflag:s8], $0x40  }
0x1c: {  	[sflag:s8] =	ssyncset.done $0x0  }
0x1d: {  	s10 =	rddreg [dreg:$0x5];
	[sflag:s8] =	ssyncadd.s32 $0xFFFFFFC0  }
0x1e: {  	[tilespmem:s9], [sflag:$0x2] =	stream.linear.gather [hbm4b:s10+s2], $0x10000, $0x38;
	[tilespmem:$0x10080] =	vst v63  }
0x1f: {  	_ =	swait.ge [sflag:s8], $0x10000  }
0x20: {  	[sflag:s8] =	ssyncset.done $0x0  }
0x21: {  	[sflag:s8] =	ssyncadd.s32 $0xFFFF0000  }
0x22: {  	v3 =	vld [tilespmem:$0x0];
	_ =	sdelay $0x4  }
0x23: {  	v4 =	vshll.u32 v3, $0x3  }
0x24: {  	v3 =	vand.u32 $0x7, v3;
	v4 =	vand.u32 $0xFFFFFFC0, v4  }
0x25: {  	v3 =	vor.u32 v3, v4  }
0x26: {  	v4 =	vperm.xlane v3, v0;
	_ =	sdelay $0x1  }
0x27: {  	v4 =	vadd.s32 v1, v4;
	_ =	sdelay $0x4  }
0x28: {  	[hbm4b:s3+s2] =	stream.indirect_vreg.scatter [tilespmem:s9], [sflag:$0x1], $0x80, v4, vm0, $0xb8;
	[tilespmem:$0x10080] =	vst v63  }
0x29: {  	s0 =	rddreg [dreg:$0x6];
	v3 =	vperm.xlane v3, v2  }
0x2a: {  	[hbm4b:s4+s2] =	stream.indirect_vreg.scatter [tilespmem:s0], [sflag:$0x1], $0x80, v4, vm0, $0xb8;
	[tilespmem:$0x10080] =	vst v63  }
0x2b: {  	s10 =	rddreg [dreg:$0x7];
	v3 =	vadd.s32 v1, v3  }
0x2c: {  	[hbm4b:s5+s2] =	stream.indirect_vreg.scatter [tilespmem:s10], [sflag:$0x1], $0x80, v4, vm0, $0xb8;
	[tilespmem:$0x10080] =	vst v63  }
0x2d: {  	s0 =	rddreg [dreg:$0x8]  }
0x2e: {  	[hbm4b:s6+s2] =	stream.indirect_vreg.scatter [tilespmem:s0], [sflag:$0x1], $0x80, v4, vm0, $0xb8;
	[tilespmem:$0x10080] =	vst v63  }
0x2f: {  	s10 =	rddreg [dreg:$0x9]  }
0x30: {  	[hbm4b:s3+s2] =	stream.indirect_vreg.scatter [tilespmem:s10], [sflag:$0x1], $0x80, v3, vm0, $0xb8;
	[tilespmem:$0x10080] =	vst v63  }
0x31: {  	s0 =	rddreg [dreg:$0xa]  }
0x32: {  	[hbm4b:s4+s2] =	stream.indirect_vreg.scatter [tilespmem:s0], [sflag:$0x1], $0x80, v3, vm0, $0xb8;
	[tilespmem:$0x10080] =	vst v63  }
0x33: {  	s10 =	rddreg [dreg:$0xb]  }
0x34: {  	[hbm4b:s5+s2] =	stream.indirect_vreg.scatter [tilespmem:s10], [sflag:$0x1], $0x80, v3, vm0, $0xb8;
	[tilespmem:$0x10080] =	vst v63  }
0x35: {  	s0 =	rddreg [dreg:$0xc]  }
0x36: {  	[hbm4b:s6+s2] =	stream.indirect_vreg.scatter [tilespmem:s0], [sflag:$0x1], $0x80, v3, vm0, $0xb8;
	[tilespmem:$0x10080] =	vst v63  }
0x37: {  	v3 =	vld [tilespmem:$0x10];
	_ =	sdelay $0x4  }
0x38: {  	v61 =	vshll.u32 v3, $0x3  }
0x39: {  	v3 =	vand.u32 $0x7, v3;
	v4 =	vand.u32 $0xFFFFFFC0, v61  }
0x3a: {  	v3 =	vor.u32 v3, v4  }
0x3b: {  	v4 =	vperm.xlane v3, v0;
	_ =	sdelay $0x1  }
0x3c: {  	v4 =	vadd.s32 v1, v4;
	_ =	sdelay $0x3  }
0x3d: {  	s0 =	rddreg [dreg:$0xd]  }
0x3e: {  	[hbm4b:s3+s2] =	stream.indirect_vreg.scatter [tilespmem:s0], [sflag:$0x1], $0x80, v4, vm0, $0xb8;
	[tilespmem:$0x10080] =	vst v63  }
0x3f: {  	s10 =	rddreg [dreg:$0xe];
	v3 =	vperm.xlane v3, v2  }
0x40: {  	[hbm4b:s4+s2] =	stream.indirect_vreg.scatter [tilespmem:s10], [sflag:$0x1], $0x80, v4, vm0, $0xb8;
	[tilespmem:$0x10080] =	vst v63  }
0x41: {  	v3 =	vadd.s32 v1, v3;
	s0 =	rddreg [dreg:$0xf]  }
0x42: {  	[hbm4b:s5+s2] =	stream.indirect_vreg.scatter [tilespmem:s0], [sflag:$0x1], $0x80, v4, vm0, $0xb8;
	[tilespmem:$0x10080] =	vst v63  }
0x43: {  	s10 =	simm.s32 $0x5880  }
0x44: {  	[hbm4b:s6+s2] =	stream.indirect_vreg.scatter [tilespmem:s10], [sflag:$0x1], $0x80, v4, vm0, $0xb8;
	[tilespmem:$0x10080] =	vst v63  }
0x45: {  	_ = 	snop  }
0x46: {  	[hbm4b:s3+s2] =	stream.indirect_vreg.scatter [tilespmem:s11], [sflag:$0x1], $0x80, v3, vm0, $0xb8;
	[tilespmem:$0x10080] =	vst v63  }
0x47: {  	_ = 	snop  }
0x48: {  	[hbm4b:s4+s2] =	stream.indirect_vreg.scatter [tilespmem:s12], [sflag:$0x1], $0x80, v3, vm0, $0xb8;
	[tilespmem:$0x10080] =	vst v63  }
0x49: {  	_ = 	snop  }
0x4a: {  	[hbm4b:s5+s2] =	stream.indirect_vreg.scatter [tilespmem:s13], [sflag:$0x1], $0x80, v3, vm0, $0xb8;
	[tilespmem:$0x10080] =	vst v63  }
0x4b: {  	_ = 	snop  }
0x4c: {  	[hbm4b:s6+s2] =	stream.indirect_vreg.scatter [tilespmem:s14], [sflag:$0x1], $0x80, v3, vm0, $0xb8;
	[tilespmem:$0x10080] =	vst v63  }
0x4d: {  	v3 =	vld [tilespmem:$0x20];
	_ =	sdelay $0x4  }
0x4e: {  	v62 =	vshll.u32 v3, $0x3  }
0x4f: {  	v3 =	vand.u32 $0x7, v3;
	v4 =	vand.u32 $0xFFFFFFC0, v62  }
0x50: {  	v3 =	vor.u32 v3, v4  }
0x51: {  	v4 =	vperm.xlane v3, v0;
	_ =	sdelay $0x1  }
0x52: {  	v4 =	vadd.s32 v1, v4;
	_ =	sdelay $0x4  }
0x53: {  	[hbm4b:s3+s2] =	stream.indirect_vreg.scatter [tilespmem:s15], [sflag:$0x1], $0x80, v4, vm0, $0xb8;
	[tilespmem:$0x10080] =	vst v63  }
0x54: {  	v3 =	vperm.xlane v3, v2  }
0x55: {  	[hbm4b:s4+s2] =	stream.indirect_vreg.scatter [tilespmem:s16], [sflag:$0x1], $0x80, v4, vm0, $0xb8;
	[tilespmem:$0x10080] =	vst v63  }
0x56: {  	v3 =	vadd.s32 v1, v3  }
0x57: {  	[hbm4b:s5+s2] =	stream.indirect_vreg.scatter [tilespmem:s17], [sflag:$0x1], $0x80, v4, vm0, $0xb8;
	[tilespmem:$0x10080] =	vst v63  }
0x58: {  	_ = 	snop  }
0x59: {  	[hbm4b:s6+s2] =	stream.indirect_vreg.scatter [tilespmem:s18], [sflag:$0x1], $0x80, v4, vm0, $0xb8;
	[tilespmem:$0x10080] =	vst v63  }
0x5a: {  	_ = 	snop  }
0x5b: {  	[hbm4b:s3+s2] =	stream.indirect_vreg.scatter [tilespmem:s19], [sflag:$0x1], $0x80, v3, vm0, $0xb8;
	[tilespmem:$0x10080] =	vst v63  }
0x5c: {  	_ = 	snop  }
0x5d: {  	[hbm4b:s4+s2] =	stream.indirect_vreg.scatter [tilespmem:s20], [sflag:$0x1], $0x80, v3, vm0, $0xb8;
	[tilespmem:$0x10080] =	vst v63  }
0x5e: {  	_ = 	snop  }
0x5f: {  	[hbm4b:s5+s2] =	stream.indirect_vreg.scatter [tilespmem:s21], [sflag:$0x1], $0x80, v3, vm0, $0xb8;
	[tilespmem:$0x10080] =	vst v63  }
0x60: {  	_ = 	snop  }
0x61: {  	[hbm4b:s6+s2] =	stream.indirect_vreg.scatter [tilespmem:s22], [sflag:$0x1], $0x80, v3, vm0, $0xb8;
	[tilespmem:$0x10080] =	vst v63  }
0x62: {  	v3 =	vld [tilespmem:$0x30];
	_ =	sdelay $0x4  }
0x63: {  	v63 =	vshll.u32 v3, $0x3  }
0x64: {  	v3 =	vand.u32 $0x7, v3;
	v4 =	vand.u32 $0xFFFFFFC0, v63  }
0x65: {  	v3 =	vor.u32 v3, v4  }
0x66: {  	v4 =	vperm.xlane v3, v0;
	_ =	sdelay $0x1  }
0x67: {  	v4 =	vadd.s32 v1, v4;
	_ =	sdelay $0x4  }
0x68: {  	[hbm4b:s3+s2] =	stream.indirect_vreg.scatter [tilespmem:s23], [sflag:$0x1], $0x80, v4, vm0, $0xb8;
	[tilespmem:$0x10080] =	vst v63  }
0x69: {  	v3 =	vperm.xlane v3, v2  }
0x6a: {  	[hbm4b:s4+s2] =	stream.indirect_vreg.scatter [tilespmem:s24], [sflag:$0x1], $0x80, v4, vm0, $0xb8;
	[tilespmem:$0x10080] =	vst v63  }
0x6b: {  	v3 =	vadd.s32 v1, v3  }
0x6c: {  	[hbm4b:s5+s2] =	stream.indirect_vreg.scatter [tilespmem:s25], [sflag:$0x1], $0x80, v4, vm0, $0xb8;
	[tilespmem:$0x10080] =	vst v63  }
0x6d: {  	_ = 	snop  }
0x6e: {  	[hbm4b:s6+s2] =	stream.indirect_vreg.scatter [tilespmem:s26], [sflag:$0x1], $0x80, v4, vm0, $0xb8;
	[tilespmem:$0x10080] =	vst v63  }
0x6f: {  	_ = 	snop  }
0x70: {  	[hbm4b:s3+s2] =	stream.indirect_vreg.scatter [tilespmem:s28], [sflag:$0x1], $0x80, v3, vm0, $0xb8;
	[tilespmem:$0x10080] =	vst v63  }
0x71: {  	_ = 	snop  }
0x72: {  	[hbm4b:s4+s2] =	stream.indirect_vreg.scatter [tilespmem:s29], [sflag:$0x1], $0x80, v3, vm0, $0xb8;
	[tilespmem:$0x10080] =	vst v63  }
0x73: {  	p0 =	sne.s32 s7, $0x1  }
0x74: {  	[hbm4b:s5+s2] =	stream.indirect_vreg.scatter [tilespmem:s30], [sflag:$0x1], $0x80, v3, vm0, $0xb8;
	[tilespmem:$0x10080] =	vst v63  }
.Ltmp0:
0x75: {  	_ = 	snop;
	(pc) =	sbr.rel @p0 .LBB2_1-.Ltmp0, $4  }
0x76: {  	[hbm4b:s6+s2] =	stream.indirect_vreg.scatter [tilespmem:s31], [sflag:$0x1], $0x80, v3, vm0, $0xb8;
	[tilespmem:$0x10080] =	vst v63  }
0x77: {  	_ =	swait.ge [sflag:s1], $0x10000  }
0x78: {  	[sflag:s1] =	ssyncset.done $0x0  }
0x79: {  	s7 =	sadd.s32 $0xFFFFFFFF, s7;
	[sflag:s1] =	ssyncadd.s32 $0xFFFF0000  }
0x7a: {  	_ =	sfence.sel $0x180000  }
0x7b: {  	[bflag:$0x0] =	sbarrier.arrive $0xFFFF  }
0x7c: {  	_ =	strace $0x90000047  }
0x7d: {  	s0 =	stileid.u32;
	[bflag:$0x2] =	sbarrier.arrive $0xFFFF  }
0x7e: {  	p0 =	sne.s32 s0, $0x0;
	s0 =	rddreg [dreg:$0x3]  }
0x7f: {  	s0 =	sadd.s32 @!p0 $0x100000, s0  }
0x80: {  	[sflag:s0] =	ssyncadd.tile.s32 @!p0 $0x1;
	_ =	shalt  }
.Lfunc_end2:
_tile_overlayer_lowered:
.L_overlay_start_2:
0x81: {  	(tag) =	ssettag $0x2  }
0x82: {  	s0 =	rddreg [dreg:$0x0];
	s2 =	stileid.u32  }
0x83: {  	s1 =	rddreg [dreg:$0x1];
	p0 =	sne.s32 s2, $0x0  }
0x84: {  	s3 =	rddreg [dreg:$0x2];
	[bflag:$0x3] =	sbarrier.arrive $0xFFFF;
	s2 =	simm.s32 @!p0 $0x1C02  }
0x85: {  	[timem:s3], [sflag:s2] =	dma.local @!p0 [hbm:s0], s1  }
0x86: {  	s0 =	simm.s32 @!p0 $0x2  }
0x87: {  	_ =	swait.ge @!p0 [sflag:s0], s1  }
0x88: {  	s1 =	ssub.s32 @!p0 $0x0, s1;
	[sflag:s0] =	ssyncset.done @!p0 $0x0  }
0x89: {  	[sflag:s0] =	ssyncadd.s32 @!p0 s1  }
0x8a: {  	[bflag:$0x3] =	sbarrier.arrive $0xFFFF  }
0x8b: {  	_ =	shalt  }

</sc_bundles>
